<compile_context>
chip_gen: v7x
topology: tpu7x:2x2x1
jax: 0.10.2.dev20260603
libtpu: 0.0.44.dev20260713+nightly
codegen_flags: <defaults>
</compile_context>

<pallas_src>
import functools

import jax
import jax.numpy as jnp
from jax import lax
from jax.experimental import pallas as pl
from jax.experimental.pallas import tpu as pltpu
from jax.experimental.pallas import tpu_sc as plsc

N = 10000
E = 160000
NS = 16
NCORES = 2
CHUNK = 120
NCH = 84
EPT = NCH * CHUNK
PADE = NS * EPT - E
NPAD = 10008
RPT = 624
ZL = NPAD - (NS - 1) * RPT
CL = N - (NS - 1) * RPT
RB = 1000

_f32 = jnp.float32
_bf16 = jnp.bfloat16


@functools.cache
def _make_sc_scatter(W, with_deg=False):
  mesh = plsc.VectorSubcoreMesh(core_axis_name="c", subcore_axis_name="s",
                                num_cores=NCORES, num_subcores=NS)
  scratch = [
      pltpu.VMEM((NCH, CHUNK), jnp.int32),
      pltpu.VMEM((NCH, CHUNK), jnp.int32),
      pltpu.VMEM((CHUNK, W), _bf16),
      pltpu.VMEM((CHUNK, W), _bf16),
      pltpu.VMEM_SHARED((NPAD, W), _bf16),
      pltpu.SemaphoreType.DMA,
      pltpu.SemaphoreType.DMA,
      pltpu.SemaphoreType.DMA,
      pltpu.SemaphoreType.DMA,
  ]
  outs = [jax.ShapeDtypeStruct((NCORES, N, W), _bf16)]
  if with_deg:
    outs.append(jax.ShapeDtypeStruct((N, 32), _f32))
    scratch += [
        pltpu.VMEM((CHUNK, 32), _f32),
        pltpu.VMEM_SHARED((NPAD, 32), _f32),
        pltpu.SemaphoreType.DMA,
    ]

  def body(t_hbm, srcp_hbm, dstp_hbm, z_hbm, *rest):
    if with_deg:
      (o_hbm, zd_hbm, out_hbm, deg_hbm, src_v, dst_v, buf0, buf1, acc,
       sem0, sem1, sem2, sem3, ones_v, dacc, sem4) = rest
    else:
      (out_hbm, src_v, dst_v, buf0, buf1, acc,
       sem0, sem1, sem2, sem3) = rest
    core = lax.axis_index("c")
    sub = lax.axis_index("s")

    pltpu.sync_copy(srcp_hbm.at[sub], src_v)
    pltpu.sync_copy(dstp_hbm.at[sub], dst_v)

    @pl.when(sub < NS - 1)
    def _():
      pltpu.sync_copy(z_hbm.at[pl.ds(0, RPT)], acc.at[pl.ds(sub * RPT, RPT)])
    @pl.when(sub == NS - 1)
    def _():
      pltpu.sync_copy(z_hbm, acc.at[pl.ds((NS - 1) * RPT, ZL)])
    if with_deg:
      @pl.when(core == 0)
      def _():
        pltpu.sync_copy(o_hbm, ones_v)

        @pl.when(sub < NS - 1)
        def _():
          pltpu.sync_copy(zd_hbm.at[pl.ds(0, RPT)],
                          dacc.at[pl.ds(sub * RPT, RPT)])
        @pl.when(sub == NS - 1)
        def _():
          pltpu.sync_copy(zd_hbm, dacc.at[pl.ds((NS - 1) * RPT, ZL)])
    plsc.subcore_barrier()

    t_half = t_hbm.at[core]

    def chunk(j2, carry):
      e0 = 2 * j2

      @pl.when(j2 > 0)
      def _():
        pltpu.make_async_copy(buf0, acc.at[dst_v.at[0]], sem2).wait()
        pltpu.make_async_copy(buf1, acc.at[dst_v.at[0]], sem3).wait()
      if with_deg:
        @pl.when((core == 0) & (j2 > 0))
        def _():
          pltpu.make_async_copy(ones_v, dacc.at[dst_v.at[0]], sem4).wait()
          pltpu.make_async_copy(ones_v, dacc.at[dst_v.at[0]], sem4).wait()

      d0 = pltpu.async_copy(t_half.at[src_v.at[e0]], buf0, sem0)
      d1 = pltpu.async_copy(t_half.at[src_v.at[e0 + 1]], buf1, sem1)
      if with_deg:
        @pl.when(core == 0)
        def _():
          pltpu.async_copy(ones_v, dacc.at[dst_v.at[e0]], sem4, add=True)
          pltpu.async_copy(ones_v, dacc.at[dst_v.at[e0 + 1]], sem4, add=True)
      d0.wait()
      pltpu.async_copy(buf0, acc.at[dst_v.at[e0]], sem2, add=True)
      d1.wait()
      pltpu.async_copy(buf1, acc.at[dst_v.at[e0 + 1]], sem3, add=True)
      return carry

    lax.fori_loop(0, NCH // 2, chunk, 0)
    pltpu.make_async_copy(buf0, acc.at[dst_v.at[0]], sem2).wait()
    pltpu.make_async_copy(buf1, acc.at[dst_v.at[0]], sem3).wait()
    if with_deg:
      @pl.when(core == 0)
      def _():
        pltpu.make_async_copy(ones_v, dacc.at[dst_v.at[0]], sem4).wait()
        pltpu.make_async_copy(ones_v, dacc.at[dst_v.at[0]], sem4).wait()
    plsc.subcore_barrier()

    out_half = out_hbm.at[core]

    @pl.when(sub < NS - 1)
    def _():
      pltpu.sync_copy(acc.at[pl.ds(sub * RPT, RPT)],
                      out_half.at[pl.ds(sub * RPT, RPT)])
    @pl.when(sub == NS - 1)
    def _():
      pltpu.sync_copy(acc.at[pl.ds((NS - 1) * RPT, CL)],
                      out_half.at[pl.ds((NS - 1) * RPT, CL)])
    if with_deg:
      @pl.when((core == 0) & (sub < NS - 1))
      def _():
        pltpu.sync_copy(dacc.at[pl.ds(sub * RPT, RPT)],
                        deg_hbm.at[pl.ds(sub * RPT, RPT)])
      @pl.when((core == 0) & (sub == NS - 1))
      def _():
        pltpu.sync_copy(dacc.at[pl.ds((NS - 1) * RPT, CL)],
                        deg_hbm.at[pl.ds((NS - 1) * RPT, CL)])

  return pl.kernel(body, out_type=tuple(outs),
                   mesh=mesh, scratch_types=tuple(scratch),
                   compiler_params=pltpu.CompilerParams(
                       use_tc_tiling_on_sc=False))



def _first_body(x_ref, w_ref, b_ref, s_ref, t_ref):
  st = jnp.dot(x_ref[...], w_ref[...], preferred_element_type=_f32)
  h_out = s_ref.shape[1]
  wh = t_ref.shape[2]
  s_ref[...] = st[:, :h_out] + b_ref[...]
  t_ref[...] = jnp.stack(
      [st[:, h_out:h_out + wh], st[:, h_out + wh:]], axis=0).astype(_bf16)


def _mid_body(s_in_ref, a_ref, deg_ref, w_ref, b_ref, s_ref, t_ref):
  inv = 1.0 / jnp.clip(deg_ref[:, 0:1], 1.0, None)
  agg = jnp.concatenate([a_ref[0], a_ref[1]], axis=1).astype(_f32)
  h = jnp.maximum(s_in_ref[...] + agg * inv, 0.0)
  st = jnp.dot(h, w_ref[...], preferred_element_type=_f32)
  h_out = s_ref.shape[1]
  wh = t_ref.shape[2]
  s_ref[...] = st[:, :h_out] + b_ref[...]
  t_ref[...] = jnp.stack(
      [st[:, h_out:h_out + wh], st[:, h_out + wh:]], axis=0).astype(_bf16)


def _out_body(s_in_ref, a_ref, deg_ref, o_ref):
  inv = 1.0 / jnp.clip(deg_ref[:, 0:1], 1.0, None)
  agg = jnp.concatenate([a_ref[0], a_ref[1]], axis=1).astype(_f32)
  o_ref[...] = s_in_ref[...] + agg * inv


def _tc_first(x, wcat, b2d, h_out):
  k = x.shape[1]
  wh = (wcat.shape[1] - h_out) // 2
  return pl.pallas_call(
      _first_body,
      grid=(N // RB,),
      in_specs=[
          pl.BlockSpec((RB, k), lambda i: (i, 0)),
          pl.BlockSpec(wcat.shape, lambda i: (0, 0)),
          pl.BlockSpec((1, h_out), lambda i: (0, 0)),
      ],
      out_specs=[
          pl.BlockSpec((RB, h_out), lambda i: (i, 0)),
          pl.BlockSpec((NCORES, RB, wh), lambda i: (0, i, 0)),
      ],
      out_shape=[
          jax.ShapeDtypeStruct((N, h_out), _f32),
          jax.ShapeDtypeStruct((NCORES, N, wh), _bf16),
      ],
  )(x, wcat, b2d)


def _tc_mid(s_in, agg, deg8, wcat, b2d, h_out):
  k = s_in.shape[1]
  wa = agg.shape[2]
  wh = (wcat.shape[1] - h_out) // 2
  return pl.pallas_call(
      _mid_body,
      grid=(N // RB,),
      in_specs=[
          pl.BlockSpec((RB, k), lambda i: (i, 0)),
          pl.BlockSpec((NCORES, RB, wa), lambda i: (0, i, 0)),
          pl.BlockSpec((RB, 32), lambda i: (i, 0)),
          pl.BlockSpec(wcat.shape, lambda i: (0, 0)),
          pl.BlockSpec((1, h_out), lambda i: (0, 0)),
      ],
      out_specs=[
          pl.BlockSpec((RB, h_out), lambda i: (i, 0)),
          pl.BlockSpec((NCORES, RB, wh), lambda i: (0, i, 0)),
      ],
      out_shape=[
          jax.ShapeDtypeStruct((N, h_out), _f32),
          jax.ShapeDtypeStruct((NCORES, N, wh), _bf16),
      ],
  )(s_in, agg, deg8, wcat, b2d)


def _tc_out(s_in, agg, deg8):
  k = s_in.shape[1]
  wa = agg.shape[2]
  return pl.pallas_call(
      _out_body,
      grid=(N // RB,),
      in_specs=[
          pl.BlockSpec((RB, k), lambda i: (i, 0)),
          pl.BlockSpec((NCORES, RB, wa), lambda i: (0, i, 0)),
          pl.BlockSpec((RB, 32), lambda i: (i, 0)),
      ],
      out_specs=pl.BlockSpec((RB, k), lambda i: (i, 0)),
      out_shape=jax.ShapeDtypeStruct((N, k), _f32),
  )(s_in, agg, deg8)


@jax.jit
def kernel(x, edge_index, W_self1, W_neigh1, b1, W_self2, W_neigh2, b2,
           W_self3, W_neigh3, b3):
  src = edge_index[0].astype(jnp.int32)
  dst = edge_index[1].astype(jnp.int32)
  srcp = jnp.concatenate([src, jnp.zeros((PADE,), jnp.int32)]).reshape(NS, NCH, CHUNK)
  dstp = jnp.concatenate([dst, jnp.full((PADE,), N, jnp.int32)]).reshape(NS, NCH, CHUNK)
  z128 = jnp.zeros((ZL, 128), _bf16)
  z32 = jnp.zeros((ZL, 32), _bf16)
  z8 = jnp.zeros((ZL, 32), _f32)
  o8 = jnp.ones((CHUNK, 32), _f32)

  wc1 = jnp.concatenate([W_self1, W_neigh1], axis=1)
  wc2 = jnp.concatenate([W_self2, W_neigh2], axis=1)
  wc3 = jnp.concatenate([W_self3, W_neigh3], axis=1)

  s1, t1 = _tc_first(x, wc1, b1[None], 256)
  agg1, deg8 = _make_sc_scatter(128, True)(t1, srcp, dstp, z128, o8, z8)
  s2, t2 = _tc_mid(s1, agg1, deg8, wc2, b2[None], 256)
  (agg2,) = _make_sc_scatter(128)(t2, srcp, dstp, z128)
  s3, t3 = _tc_mid(s2, agg2, deg8, wc3, b3[None], 64)
  (agg3,) = _make_sc_scatter(32)(t3, srcp, dstp, z32)
  return _tc_out(s3, agg3, deg8)

# --- scband reference (transcript-rebuilt; emitter-appended) ---
"""Pipeline reference for scband-sage-30863634989414 (READ-ONLY COPY).

The authoritative reference and input builder live on the scoring server;
editing this copy changes nothing except your own understanding.
"""

import jax, jax.numpy as jnp
import numpy as np

N_NODES = 10000
N_EDGES = 160000
IN_FEATS = 256
N_HIDDEN = 256
N_CLASSES = 64


def setup_inputs(seed: int = 0) -> dict:
    key = jax.random.key(seed)
    ks = [jax.random.fold_in(key, i) for i in range(12)]
    x = jax.random.normal(ks[0], (N_NODES, IN_FEATS), dtype=jnp.float32)
    edge_index = jax.random.randint(ks[1], (2, N_EDGES), 0, N_NODES, dtype=jnp.int64)
    def lin(k, fan_in, fan_out):
        bound = 1.0 / np.sqrt(fan_in)
        return jax.random.uniform(k, (fan_in, fan_out), dtype=jnp.float32, minval=-bound, maxval=bound)
    W_self1 = lin(ks[2], IN_FEATS, N_HIDDEN)
    W_neigh1 = lin(ks[3], IN_FEATS, N_HIDDEN)
    b1 = jnp.zeros((N_HIDDEN,), dtype=jnp.float32)
    W_self2 = lin(ks[4], N_HIDDEN, N_HIDDEN)
    W_neigh2 = lin(ks[5], N_HIDDEN, N_HIDDEN)
    b2 = jnp.zeros((N_HIDDEN,), dtype=jnp.float32)
    W_self3 = lin(ks[6], N_HIDDEN, N_CLASSES)
    W_neigh3 = lin(ks[7], N_HIDDEN, N_CLASSES)
    b3 = jnp.zeros((N_CLASSES,), dtype=jnp.float32)
    return {"x": x, "edge_index": edge_index,
            "W_self1": W_self1, "W_neigh1": W_neigh1, "b1": b1,
            "W_self2": W_self2, "W_neigh2": W_neigh2, "b2": b2,
            "W_self3": W_self3, "W_neigh3": W_neigh3, "b3": b3}


def _sage_conv(h, src, dst, n_nodes, W_self, W_neigh, b):
    # DGL SAGEConv with 'mean' aggregator: fc_self(h_dst) + fc_neigh(mean_{src in N(dst)} h_src) + bias
    msg = jnp.take(h, src, axis=0)
    agg = jax.ops.segment_sum(msg, dst, num_segments=n_nodes)
    deg = jax.ops.segment_sum(jnp.ones((src.shape[0],), dtype=h.dtype), dst, num_segments=n_nodes)
    agg = agg / jnp.clip(deg, 1.0, None)[:, None]
    return h @ W_self + agg @ W_neigh + b


def reference(x, edge_index, W_self1, W_neigh1, b1, W_self2, W_neigh2, b2, W_self3, W_neigh3, b3):
    src = edge_index[0]
    dst = edge_index[1]
    n = x.shape[0]
    h = _sage_conv(x, src, dst, n, W_self1, W_neigh1, b1)
    h = jax.nn.relu(h)
    h = _sage_conv(h, src, dst, n, W_self2, W_neigh2, b2)
    h = jax.nn.relu(h)
    h = _sage_conv(h, src, dst, n, W_self3, W_neigh3, b3)
    return h

if __name__ == "__main__":
    import jax
    _d = setup_inputs()
    print(jax.jit(kernel)(*tuple(_d.values())))

</pallas_src>

<mosaic_0001>
#map = affine_map<(d0, d1) -> (0, 0, 0)>
#map1 = affine_map<(d0, d1) -> (0, 0)>
module attributes {stable_mosaic.version = 14 : i64} {
  func.func @body(%arg0: i32, %arg1: i32, %arg2: memref<2x10000x32xbf16, #tpu.memory_space<hbm>>, %arg3: memref<16x84x120xi32, #tpu.memory_space<hbm>>, %arg4: memref<16x84x120xi32, #tpu.memory_space<hbm>>, %arg5: memref<648x32xbf16, #tpu.memory_space<hbm>>, %arg6: memref<2x10000x32xbf16, #tpu.memory_space<hbm>>, %arg7: memref<84x120xi32, #tpu.memory_space<vmem>>, %arg8: memref<84x120xi32, #tpu.memory_space<vmem>>, %arg9: memref<120x32xbf16, #tpu.memory_space<vmem>>, %arg10: memref<120x32xbf16, #tpu.memory_space<vmem>>, %arg11: memref<10008x32xbf16, #tpu.memory_space<vmem_shared>>, %arg12: memref<!tpu.dma_semaphore, #tpu.memory_space<semaphore_mem>>, %arg13: memref<!tpu.dma_semaphore, #tpu.memory_space<semaphore_mem>>, %arg14: memref<!tpu.dma_semaphore, #tpu.memory_space<semaphore_mem>>, %arg15: memref<!tpu.dma_semaphore, #tpu.memory_space<semaphore_mem>>) attributes {dimension_semantics = [#tpu.dimension_semantics<core_parallel>, #tpu.dimension_semantics<subcore_parallel>], iteration_bounds = array<i64: 2, 16>, scalar_prefetch = 0 : i64, scratch_operands = 9 : i64, tpu.core_type = #tpu.core_type<sc_vector_subcore>, window_params = [{transform_indices = #map}, {transform_indices = #map}, {transform_indices = #map}, {transform_indices = #map1}, {transform_indices = #map}]} {
    "tpu.region"() ({
      %run_scoped3A = tpu.sem_alloc : memref<!tpu.dma_semaphore, #tpu.memory_space<semaphore_mem>>
      %dma_start3A = arith.constant 0 : i32
      %dma_start3A_35 = arith.constant 0 : i32
      %dma_start3A_36 = tpu.memref_slice %arg3[%arg1, %dma_start3A, %dma_start3A_35] : memref<16x84x120xi32, #tpu.memory_space<hbm>> -> memref<1x84x120xi32, #tpu.memory_space<hbm>>
      %dma_start3A_37 = tpu.memref_squeeze %dma_start3A_36 : memref<1x84x120xi32, #tpu.memory_space<hbm>> -> memref<84x120xi32, #tpu.memory_space<hbm>>
      %dma_start3A_38 = arith.constant 0 : i32
      %dma_start3A_39 = arith.constant 0 : i32
      %dma_start3A_40 = tpu.memref_slice %arg3[%arg1, %dma_start3A_38, %dma_start3A_39] : memref<16x84x120xi32, #tpu.memory_space<hbm>> -> memref<1x84x120xi32, #tpu.memory_space<hbm>>
      %dma_start3A_41 = tpu.memref_squeeze %dma_start3A_40 : memref<1x84x120xi32, #tpu.memory_space<hbm>> -> memref<84x120xi32, #tpu.memory_space<hbm>>
      tpu.enqueue_dma source(%dma_start3A_41 : memref<84x120xi32, #tpu.memory_space<hbm>>) target(%arg7 : memref<84x120xi32, #tpu.memory_space<vmem>>) target_semaphore(%run_scoped3A : memref<!tpu.dma_semaphore, #tpu.memory_space<semaphore_mem>>)
      %dma_wait3A_42 = arith.constant 0 : i32
      %dma_wait3A_43 = arith.constant 0 : i32
      %dma_wait3A_44 = tpu.memref_slice %arg3[%arg1, %dma_wait3A_42, %dma_wait3A_43] : memref<16x84x120xi32, #tpu.memory_space<hbm>> -> memref<1x84x120xi32, #tpu.memory_space<hbm>>
      %dma_wait3A_45 = tpu.memref_squeeze %dma_wait3A_44 : memref<1x84x120xi32, #tpu.memory_space<hbm>> -> memref<84x120xi32, #tpu.memory_space<hbm>>
      %dma_wait3A_46 = arith.constant 0 : i32
      %dma_wait3A_47 = arith.constant 0 : i32
      %dma_wait3A_48 = tpu.memref_slice %arg3[%arg1, %dma_wait3A_46, %dma_wait3A_47] : memref<16x84x120xi32, #tpu.memory_space<hbm>> -> memref<1x84x120xi32, #tpu.memory_space<hbm>>
      %dma_wait3A_49 = tpu.memref_squeeze %dma_wait3A_48 : memref<1x84x120xi32, #tpu.memory_space<hbm>> -> memref<84x120xi32, #tpu.memory_space<hbm>>
      tpu.wait_dma2 semaphore(%run_scoped3A : memref<!tpu.dma_semaphore, #tpu.memory_space<semaphore_mem>>) src(%dma_wait3A_49 : memref<84x120xi32, #tpu.memory_space<hbm>>) dst(%arg7 : memref<84x120xi32, #tpu.memory_space<vmem>>)
      tpu.yield
    }) : () -> ()
    "tpu.region"() ({
      %run_scoped3A = tpu.sem_alloc : memref<!tpu.dma_semaphore, #tpu.memory_space<semaphore_mem>>
      %dma_start3A = arith.constant 0 : i32
      %dma_start3A_35 = arith.constant 0 : i32
      %dma_start3A_36 = tpu.memref_slice %arg4[%arg1, %dma_start3A, %dma_start3A_35] : memref<16x84x120xi32, #tpu.memory_space<hbm>> -> memref<1x84x120xi32, #tpu.memory_space<hbm>>
      %dma_start3A_37 = tpu.memref_squeeze %dma_start3A_36 : memref<1x84x120xi32, #tpu.memory_space<hbm>> -> memref<84x120xi32, #tpu.memory_space<hbm>>
      %dma_start3A_38 = arith.constant 0 : i32
      %dma_start3A_39 = arith.constant 0 : i32
      %dma_start3A_40 = tpu.memref_slice %arg4[%arg1, %dma_start3A_38, %dma_start3A_39] : memref<16x84x120xi32, #tpu.memory_space<hbm>> -> memref<1x84x120xi32, #tpu.memory_space<hbm>>
      %dma_start3A_41 = tpu.memref_squeeze %dma_start3A_40 : memref<1x84x120xi32, #tpu.memory_space<hbm>> -> memref<84x120xi32, #tpu.memory_space<hbm>>
      tpu.enqueue_dma source(%dma_start3A_41 : memref<84x120xi32, #tpu.memory_space<hbm>>) target(%arg8 : memref<84x120xi32, #tpu.memory_space<vmem>>) target_semaphore(%run_scoped3A : memref<!tpu.dma_semaphore, #tpu.memory_space<semaphore_mem>>)
      %dma_wait3A_42 = arith.constant 0 : i32
      %dma_wait3A_43 = arith.constant 0 : i32
      %dma_wait3A_44 = tpu.memref_slice %arg4[%arg1, %dma_wait3A_42, %dma_wait3A_43] : memref<16x84x120xi32, #tpu.memory_space<hbm>> -> memref<1x84x120xi32, #tpu.memory_space<hbm>>
      %dma_wait3A_45 = tpu.memref_squeeze %dma_wait3A_44 : memref<1x84x120xi32, #tpu.memory_space<hbm>> -> memref<84x120xi32, #tpu.memory_space<hbm>>
      %dma_wait3A_46 = arith.constant 0 : i32
      %dma_wait3A_47 = arith.constant 0 : i32
      %dma_wait3A_48 = tpu.memref_slice %arg4[%arg1, %dma_wait3A_46, %dma_wait3A_47] : memref<16x84x120xi32, #tpu.memory_space<hbm>> -> memref<1x84x120xi32, #tpu.memory_space<hbm>>
      %dma_wait3A_49 = tpu.memref_squeeze %dma_wait3A_48 : memref<1x84x120xi32, #tpu.memory_space<hbm>> -> memref<84x120xi32, #tpu.memory_space<hbm>>
      tpu.wait_dma2 semaphore(%run_scoped3A : memref<!tpu.dma_semaphore, #tpu.memory_space<semaphore_mem>>) src(%dma_wait3A_49 : memref<84x120xi32, #tpu.memory_space<hbm>>) dst(%arg8 : memref<84x120xi32, #tpu.memory_space<vmem>>)
      tpu.yield
    }) : () -> ()
    %lt3A = arith.constant 15 : i32
    %lt3A_0 = arith.cmpi slt, %arg1, %lt3A : i32
    %convert_element_type3A = arith.extui %lt3A_0 : i1 to i32
    %cond3A = arith.constant 0 : i32
    %cond3A_1 = arith.cmpi ne, %convert_element_type3A, %cond3A : i32
    scf.if %cond3A_1 {
      %mul3A = arith.constant 624 : i32
      %mul3A_35 = arith.muli %arg1, %mul3A : i32
      "tpu.region"() ({
        %run_scoped3A = tpu.sem_alloc : memref<!tpu.dma_semaphore, #tpu.memory_space<semaphore_mem>>
        %dma_start3A = arith.constant 0 : i32
        %dma_start3A_36 = tpu.memref_slice %arg11[%mul3A_35, %dma_start3A] : memref<10008x32xbf16, #tpu.memory_space<vmem_shared>> -> memref<624x32xbf16, #tpu.memory_space<vmem_shared>>
        %dma_start3A_37 = arith.constant 0 : i32
        %dma_start3A_38 = arith.constant 0 : i32
        %dma_start3A_39 = tpu.memref_slice %arg5[%dma_start3A_37, %dma_start3A_38] : memref<648x32xbf16, #tpu.memory_space<hbm>> -> memref<624x32xbf16, #tpu.memory_space<hbm>>
        tpu.enqueue_dma source(%dma_start3A_39 : memref<624x32xbf16, #tpu.memory_space<hbm>>) target(%dma_start3A_36 : memref<624x32xbf16, #tpu.memory_space<vmem_shared>>) target_semaphore(%run_scoped3A : memref<!tpu.dma_semaphore, #tpu.memory_space<semaphore_mem>>)
        %dma_wait3A_40 = arith.constant 0 : i32
        %dma_wait3A_41 = tpu.memref_slice %arg11[%mul3A_35, %dma_wait3A_40] : memref<10008x32xbf16, #tpu.memory_space<vmem_shared>> -> memref<624x32xbf16, #tpu.memory_space<vmem_shared>>
        %dma_wait3A_42 = arith.constant 0 : i32
        %dma_wait3A_43 = arith.constant 0 : i32
        %dma_wait3A_44 = tpu.memref_slice %arg5[%dma_wait3A_42, %dma_wait3A_43] : memref<648x32xbf16, #tpu.memory_space<hbm>> -> memref<624x32xbf16, #tpu.memory_space<hbm>>
        tpu.wait_dma2 semaphore(%run_scoped3A : memref<!tpu.dma_semaphore, #tpu.memory_space<semaphore_mem>>) src(%dma_wait3A_44 : memref<624x32xbf16, #tpu.memory_space<hbm>>) dst(%dma_wait3A_41 : memref<624x32xbf16, #tpu.memory_space<vmem_shared>>)
        tpu.yield
      }) : () -> ()
    } else {
    }
    %eq3A = arith.constant 15 : i32
    %eq3A_2 = arith.cmpi eq, %arg1, %eq3A : i32
    %convert_element_type3A_3 = arith.extui %eq3A_2 : i1 to i32
    %cond3A_4 = arith.constant 0 : i32
    %cond3A_5 = arith.cmpi ne, %convert_element_type3A_3, %cond3A_4 : i32
    scf.if %cond3A_5 {
      "tpu.region"() ({
        %run_scoped3A = tpu.sem_alloc : memref<!tpu.dma_semaphore, #tpu.memory_space<semaphore_mem>>
        %dma_start3A = arith.constant 9360 : i32
        %dma_start3A_35 = arith.constant 0 : i32
        %dma_start3A_36 = tpu.memref_slice %arg11[%dma_start3A, %dma_start3A_35] : memref<10008x32xbf16, #tpu.memory_space<vmem_shared>> -> memref<648x32xbf16, #tpu.memory_space<vmem_shared>>
        tpu.enqueue_dma source(%arg5 : memref<648x32xbf16, #tpu.memory_space<hbm>>) target(%dma_start3A_36 : memref<648x32xbf16, #tpu.memory_space<vmem_shared>>) target_semaphore(%run_scoped3A : memref<!tpu.dma_semaphore, #tpu.memory_space<semaphore_mem>>)
        %dma_wait3A_37 = arith.constant 9360 : i32
        %dma_wait3A_38 = arith.constant 0 : i32
        %dma_wait3A_39 = tpu.memref_slice %arg11[%dma_wait3A_37, %dma_wait3A_38] : memref<10008x32xbf16, #tpu.memory_space<vmem_shared>> -> memref<648x32xbf16, #tpu.memory_space<vmem_shared>>
        tpu.wait_dma2 semaphore(%run_scoped3A : memref<!tpu.dma_semaphore, #tpu.memory_space<semaphore_mem>>) src(%arg5 : memref<648x32xbf16, #tpu.memory_space<hbm>>) dst(%dma_wait3A_39 : memref<648x32xbf16, #tpu.memory_space<vmem_shared>>)
        tpu.yield
      }) : () -> ()
    } else {
    }
    %barrier3A = arith.constant 0 : index
    tpu.barrier barrier_id(%barrier3A)
    %scan3A = arith.constant 0 : i32
    %scan3A_6 = arith.constant 0 : i32
    %scan3A_7 = arith.constant 42 : i32
    %scan3A_8 = arith.addi %scan3A_6, %scan3A_7 : i32
    %scan3A_9 = arith.constant 1 : i32
    scf.for %scan3A_35 = %scan3A_6 to %scan3A_8 step %scan3A_9  : i32 {
      %mul3A = arith.constant 2 : i32
      %mul3A_36 = arith.muli %mul3A, %scan3A_35 : i32
      %gt3A = arith.constant 0 : i32
      %gt3A_37 = arith.cmpi sgt, %scan3A_35, %gt3A : i32
      %convert_element_type3A_38 = arith.extui %gt3A_37 : i1 to i32
      %cond3A_39 = arith.constant 0 : i32
      %cond3A_40 = arith.cmpi ne, %convert_element_type3A_38, %cond3A_39 : i32
      scf.if %cond3A_40 {
        %dma_wait3A_95 = arith.constant 0 : i32
        %dma_wait3A_96 = arith.constant 0 : i32
        %dma_wait3A_97 = tpu.memref_slice %arg8[%dma_wait3A_95, %dma_wait3A_96] : memref<84x120xi32, #tpu.memory_space<vmem>> -> memref<1x120xi32, #tpu.memory_space<vmem>>
        %dma_wait3A_98 = tpu.memref_squeeze %dma_wait3A_97 : memref<1x120xi32, #tpu.memory_space<vmem>> -> memref<120xi32, #tpu.memory_space<vmem>>
        %dma_wait3A_99 = arith.constant 0 : i32
        %dma_wait3A_100 = arith.constant 0 : i32
        %dma_wait3A_101 = tpu.memref_slice %arg11[%dma_wait3A_99, %dma_wait3A_100] : memref<10008x32xbf16, #tpu.memory_space<vmem_shared>> -> memref<10008x32xbf16, #tpu.memory_space<vmem_shared>>
        tpu.wait_indirect_dma semaphore(%arg14 : memref<!tpu.dma_semaphore, #tpu.memory_space<semaphore_mem>>) src(%arg9 : memref<120x32xbf16, #tpu.memory_space<vmem>>) dst(%dma_wait3A_101 : memref<10008x32xbf16, #tpu.memory_space<vmem_shared>>)
        %dma_wait3A_102 = arith.constant 0 : i32
        %dma_wait3A_103 = arith.constant 0 : i32
        %dma_wait3A_104 = tpu.memref_slice %arg8[%dma_wait3A_102, %dma_wait3A_103] : memref<84x120xi32, #tpu.memory_space<vmem>> -> memref<1x120xi32, #tpu.memory_space<vmem>>
        %dma_wait3A_105 = tpu.memref_squeeze %dma_wait3A_104 : memref<1x120xi32, #tpu.memory_space<vmem>> -> memref<120xi32, #tpu.memory_space<vmem>>
        %dma_wait3A_106 = arith.constant 0 : i32
        %dma_wait3A_107 = arith.constant 0 : i32
        %dma_wait3A_108 = tpu.memref_slice %arg11[%dma_wait3A_106, %dma_wait3A_107] : memref<10008x32xbf16, #tpu.memory_space<vmem_shared>> -> memref<10008x32xbf16, #tpu.memory_space<vmem_shared>>
        tpu.wait_indirect_dma semaphore(%arg15 : memref<!tpu.dma_semaphore, #tpu.memory_space<semaphore_mem>>) src(%arg10 : memref<120x32xbf16, #tpu.memory_space<vmem>>) dst(%dma_wait3A_108 : memref<10008x32xbf16, #tpu.memory_space<vmem_shared>>)
      } else {
      }
      %dma_start3A = arith.constant 0 : i32
      %dma_start3A_41 = tpu.memref_slice %arg7[%mul3A_36, %dma_start3A] : memref<84x120xi32, #tpu.memory_space<vmem>> -> memref<1x120xi32, #tpu.memory_space<vmem>>
      %dma_start3A_42 = tpu.memref_squeeze %dma_start3A_41 : memref<1x120xi32, #tpu.memory_space<vmem>> -> memref<120xi32, #tpu.memory_space<vmem>>
      %dma_start3A_43 = arith.constant 0 : i32
      %dma_start3A_44 = arith.constant 0 : i32
      %dma_start3A_45 = tpu.memref_slice %arg2[%arg0, %dma_start3A_43, %dma_start3A_44] : memref<2x10000x32xbf16, #tpu.memory_space<hbm>> -> memref<1x10000x32xbf16, #tpu.memory_space<hbm>>
      %dma_start3A_46 = tpu.memref_squeeze %dma_start3A_45 : memref<1x10000x32xbf16, #tpu.memory_space<hbm>> -> memref<10000x32xbf16, #tpu.memory_space<hbm>>
      %dma_start3A_47 = arith.constant 0 : i32
      %dma_start3A_48 = arith.constant 0 : i32
      %dma_start3A_49 = tpu.memref_slice %dma_start3A_46[%dma_start3A_47, %dma_start3A_48] : memref<10000x32xbf16, #tpu.memory_space<hbm>> -> memref<10000x32xbf16, #tpu.memory_space<hbm>>
      tpu.enqueue_indirect_dma source(%dma_start3A_49 : memref<10000x32xbf16, #tpu.memory_space<hbm>>) target(%arg9 : memref<120x32xbf16, #tpu.memory_space<vmem>>) offsets(%dma_start3A_42 : memref<120xi32, #tpu.memory_space<vmem>>) semaphore(%arg12 : memref<!tpu.dma_semaphore, #tpu.memory_space<semaphore_mem>>)
      %add3A = arith.constant 1 : i32
      %add3A_50 = arith.addi %mul3A_36, %add3A : i32
      %dma_start3A_51 = arith.constant 0 : i32
      %dma_start3A_52 = tpu.memref_slice %arg7[%add3A_50, %dma_start3A_51] : memref<84x120xi32, #tpu.memory_space<vmem>> -> memref<1x120xi32, #tpu.memory_space<vmem>>
      %dma_start3A_53 = tpu.memref_squeeze %dma_start3A_52 : memref<1x120xi32, #tpu.memory_space<vmem>> -> memref<120xi32, #tpu.memory_space<vmem>>
      %dma_start3A_54 = arith.constant 0 : i32
      %dma_start3A_55 = arith.constant 0 : i32
      %dma_start3A_56 = tpu.memref_slice %arg2[%arg0, %dma_start3A_54, %dma_start3A_55] : memref<2x10000x32xbf16, #tpu.memory_space<hbm>> -> memref<1x10000x32xbf16, #tpu.memory_space<hbm>>
      %dma_start3A_57 = tpu.memref_squeeze %dma_start3A_56 : memref<1x10000x32xbf16, #tpu.memory_space<hbm>> -> memref<10000x32xbf16, #tpu.memory_space<hbm>>
      %dma_start3A_58 = arith.constant 0 : i32
      %dma_start3A_59 = arith.constant 0 : i32
      %dma_start3A_60 = tpu.memref_slice %dma_start3A_57[%dma_start3A_58, %dma_start3A_59] : memref<10000x32xbf16, #tpu.memory_space<hbm>> -> memref<10000x32xbf16, #tpu.memory_space<hbm>>
      tpu.enqueue_indirect_dma source(%dma_start3A_60 : memref<10000x32xbf16, #tpu.memory_space<hbm>>) target(%arg10 : memref<120x32xbf16, #tpu.memory_space<vmem>>) offsets(%dma_start3A_53 : memref<120xi32, #tpu.memory_space<vmem>>) semaphore(%arg13 : memref<!tpu.dma_semaphore, #tpu.memory_space<semaphore_mem>>)
      %dma_wait3A_61 = arith.constant 0 : i32
      %dma_wait3A_62 = tpu.memref_slice %arg7[%mul3A_36, %dma_wait3A_61] : memref<84x120xi32, #tpu.memory_space<vmem>> -> memref<1x120xi32, #tpu.memory_space<vmem>>
      %dma_wait3A_63 = tpu.memref_squeeze %dma_wait3A_62 : memref<1x120xi32, #tpu.memory_space<vmem>> -> memref<120xi32, #tpu.memory_space<vmem>>
      %dma_wait3A_64 = arith.constant 0 : i32
      %dma_wait3A_65 = arith.constant 0 : i32
      %dma_wait3A_66 = tpu.memref_slice %arg2[%arg0, %dma_wait3A_64, %dma_wait3A_65] : memref<2x10000x32xbf16, #tpu.memory_space<hbm>> -> memref<1x10000x32xbf16, #tpu.memory_space<hbm>>
      %dma_wait3A_67 = tpu.memref_squeeze %dma_wait3A_66 : memref<1x10000x32xbf16, #tpu.memory_space<hbm>> -> memref<10000x32xbf16, #tpu.memory_space<hbm>>
      %dma_wait3A_68 = arith.constant 0 : i32
      %dma_wait3A_69 = arith.constant 0 : i32
      %dma_wait3A_70 = tpu.memref_slice %dma_wait3A_67[%dma_wait3A_68, %dma_wait3A_69] : memref<10000x32xbf16, #tpu.memory_space<hbm>> -> memref<10000x32xbf16, #tpu.memory_space<hbm>>
      tpu.wait_indirect_dma semaphore(%arg12 : memref<!tpu.dma_semaphore, #tpu.memory_space<semaphore_mem>>) src(%dma_wait3A_70 : memref<10000x32xbf16, #tpu.memory_space<hbm>>) dst(%arg9 : memref<120x32xbf16, #tpu.memory_space<vmem>>)
      %dma_start3A_71 = arith.constant 0 : i32
      %dma_start3A_72 = tpu.memref_slice %arg8[%mul3A_36, %dma_start3A_71] : memref<84x120xi32, #tpu.memory_space<vmem>> -> memref<1x120xi32, #tpu.memory_space<vmem>>
      %dma_start3A_73 = tpu.memref_squeeze %dma_start3A_72 : memref<1x120xi32, #tpu.memory_space<vmem>> -> memref<120xi32, #tpu.memory_space<vmem>>
      %dma_start3A_74 = arith.constant 0 : i32
      %dma_start3A_75 = arith.constant 0 : i32
      %dma_start3A_76 = tpu.memref_slice %arg11[%dma_start3A_74, %dma_start3A_75] : memref<10008x32xbf16, #tpu.memory_space<vmem_shared>> -> memref<10008x32xbf16, #tpu.memory_space<vmem_shared>>
      tpu.enqueue_indirect_dma source(%arg9 : memref<120x32xbf16, #tpu.memory_space<vmem>>) target(%dma_start3A_76 : memref<10008x32xbf16, #tpu.memory_space<vmem_shared>>) offsets(%dma_start3A_73 : memref<120xi32, #tpu.memory_space<vmem>>) semaphore(%arg14 : memref<!tpu.dma_semaphore, #tpu.memory_space<semaphore_mem>>) {add = true}
      %dma_wait3A_77 = arith.constant 0 : i32
      %dma_wait3A_78 = tpu.memref_slice %arg7[%add3A_50, %dma_wait3A_77] : memref<84x120xi32, #tpu.memory_space<vmem>> -> memref<1x120xi32, #tpu.memory_space<vmem>>
      %dma_wait3A_79 = tpu.memref_squeeze %dma_wait3A_78 : memref<1x120xi32, #tpu.memory_space<vmem>> -> memref<120xi32, #tpu.memory_space<vmem>>
      %dma_wait3A_80 = arith.constant 0 : i32
      %dma_wait3A_81 = arith.constant 0 : i32
      %dma_wait3A_82 = tpu.memref_slice %arg2[%arg0, %dma_wait3A_80, %dma_wait3A_81] : memref<2x10000x32xbf16, #tpu.memory_space<hbm>> -> memref<1x10000x32xbf16, #tpu.memory_space<hbm>>
      %dma_wait3A_83 = tpu.memref_squeeze %dma_wait3A_82 : memref<1x10000x32xbf16, #tpu.memory_space<hbm>> -> memref<10000x32xbf16, #tpu.memory_space<hbm>>
      %dma_wait3A_84 = arith.constant 0 : i32
      %dma_wait3A_85 = arith.constant 0 : i32
      %dma_wait3A_86 = tpu.memref_slice %dma_wait3A_83[%dma_wait3A_84, %dma_wait3A_85] : memref<10000x32xbf16, #tpu.memory_space<hbm>> -> memref<10000x32xbf16, #tpu.memory_space<hbm>>
      tpu.wait_indirect_dma semaphore(%arg13 : memref<!tpu.dma_semaphore, #tpu.memory_space<semaphore_mem>>) src(%dma_wait3A_86 : memref<10000x32xbf16, #tpu.memory_space<hbm>>) dst(%arg10 : memref<120x32xbf16, #tpu.memory_space<vmem>>)
      %add3A_87 = arith.constant 1 : i32
      %add3A_88 = arith.addi %mul3A_36, %add3A_87 : i32
      %dma_start3A_89 = arith.constant 0 : i32
      %dma_start3A_90 = tpu.memref_slice %arg8[%add3A_88, %dma_start3A_89] : memref<84x120xi32, #tpu.memory_space<vmem>> -> memref<1x120xi32, #tpu.memory_space<vmem>>
      %dma_start3A_91 = tpu.memref_squeeze %dma_start3A_90 : memref<1x120xi32, #tpu.memory_space<vmem>> -> memref<120xi32, #tpu.memory_space<vmem>>
      %dma_start3A_92 = arith.constant 0 : i32
      %dma_start3A_93 = arith.constant 0 : i32
      %dma_start3A_94 = tpu.memref_slice %arg11[%dma_start3A_92, %dma_start3A_93] : memref<10008x32xbf16, #tpu.memory_space<vmem_shared>> -> memref<10008x32xbf16, #tpu.memory_space<vmem_shared>>
      tpu.enqueue_indirect_dma source(%arg10 : memref<120x32xbf16, #tpu.memory_space<vmem>>) target(%dma_start3A_94 : memref<10008x32xbf16, #tpu.memory_space<vmem_shared>>) offsets(%dma_start3A_91 : memref<120xi32, #tpu.memory_space<vmem>>) semaphore(%arg15 : memref<!tpu.dma_semaphore, #tpu.memory_space<semaphore_mem>>) {add = true}
    }
    %scan3A_10 = arith.constant 42 : i32
    %dma_wait3A = arith.constant 0 : i32
    %dma_wait3A_11 = arith.constant 0 : i32
    %dma_wait3A_12 = tpu.memref_slice %arg8[%dma_wait3A, %dma_wait3A_11] : memref<84x120xi32, #tpu.memory_space<vmem>> -> memref<1x120xi32, #tpu.memory_space<vmem>>
    %dma_wait3A_13 = tpu.memref_squeeze %dma_wait3A_12 : memref<1x120xi32, #tpu.memory_space<vmem>> -> memref<120xi32, #tpu.memory_space<vmem>>
    %dma_wait3A_14 = arith.constant 0 : i32
    %dma_wait3A_15 = arith.constant 0 : i32
    %dma_wait3A_16 = tpu.memref_slice %arg11[%dma_wait3A_14, %dma_wait3A_15] : memref<10008x32xbf16, #tpu.memory_space<vmem_shared>> -> memref<10008x32xbf16, #tpu.memory_space<vmem_shared>>
    tpu.wait_indirect_dma semaphore(%arg14 : memref<!tpu.dma_semaphore, #tpu.memory_space<semaphore_mem>>) src(%arg9 : memref<120x32xbf16, #tpu.memory_space<vmem>>) dst(%dma_wait3A_16 : memref<10008x32xbf16, #tpu.memory_space<vmem_shared>>)
    %dma_wait3A_17 = arith.constant 0 : i32
    %dma_wait3A_18 = arith.constant 0 : i32
    %dma_wait3A_19 = tpu.memref_slice %arg8[%dma_wait3A_17, %dma_wait3A_18] : memref<84x120xi32, #tpu.memory_space<vmem>> -> memref<1x120xi32, #tpu.memory_space<vmem>>
    %dma_wait3A_20 = tpu.memref_squeeze %dma_wait3A_19 : memref<1x120xi32, #tpu.memory_space<vmem>> -> memref<120xi32, #tpu.memory_space<vmem>>
    %dma_wait3A_21 = arith.constant 0 : i32
    %dma_wait3A_22 = arith.constant 0 : i32
    %dma_wait3A_23 = tpu.memref_slice %arg11[%dma_wait3A_21, %dma_wait3A_22] : memref<10008x32xbf16, #tpu.memory_space<vmem_shared>> -> memref<10008x32xbf16, #tpu.memory_space<vmem_shared>>
    tpu.wait_indirect_dma semaphore(%arg15 : memref<!tpu.dma_semaphore, #tpu.memory_space<semaphore_mem>>) src(%arg10 : memref<120x32xbf16, #tpu.memory_space<vmem>>) dst(%dma_wait3A_23 : memref<10008x32xbf16, #tpu.memory_space<vmem_shared>>)
    %barrier3A_24 = arith.constant 0 : index
    tpu.barrier barrier_id(%barrier3A_24)
    %lt3A_25 = arith.constant 15 : i32
    %lt3A_26 = arith.cmpi slt, %arg1, %lt3A_25 : i32
    %convert_element_type3A_27 = arith.extui %lt3A_26 : i1 to i32
    %cond3A_28 = arith.constant 0 : i32
    %cond3A_29 = arith.cmpi ne, %convert_element_type3A_27, %cond3A_28 : i32
    scf.if %cond3A_29 {
      %mul3A = arith.constant 624 : i32
      %mul3A_35 = arith.muli %arg1, %mul3A : i32
      %mul3A_36 = arith.constant 624 : i32
      %mul3A_37 = arith.muli %arg1, %mul3A_36 : i32
      "tpu.region"() ({
        %run_scoped3A = tpu.sem_alloc : memref<!tpu.dma_semaphore, #tpu.memory_space<semaphore_mem>>
        %dma_start3A = arith.constant 0 : i32
        %dma_start3A_38 = arith.constant 0 : i32
        %dma_start3A_39 = tpu.memref_slice %arg6[%arg0, %dma_start3A, %dma_start3A_38] : memref<2x10000x32xbf16, #tpu.memory_space<hbm>> -> memref<1x10000x32xbf16, #tpu.memory_space<hbm>>
        %dma_start3A_40 = tpu.memref_squeeze %dma_start3A_39 : memref<1x10000x32xbf16, #tpu.memory_space<hbm>> -> memref<10000x32xbf16, #tpu.memory_space<hbm>>
        %dma_start3A_41 = arith.constant 0 : i32
        %dma_start3A_42 = tpu.memref_slice %dma_start3A_40[%mul3A_37, %dma_start3A_41] : memref<10000x32xbf16, #tpu.memory_space<hbm>> -> memref<624x32xbf16, #tpu.memory_space<hbm>>
        %dma_start3A_43 = arith.constant 0 : i32
        %dma_start3A_44 = tpu.memref_slice %arg11[%mul3A_35, %dma_start3A_43] : memref<10008x32xbf16, #tpu.memory_space<vmem_shared>> -> memref<624x32xbf16, #tpu.memory_space<vmem_shared>>
        tpu.enqueue_dma source(%dma_start3A_44 : memref<624x32xbf16, #tpu.memory_space<vmem_shared>>) target(%dma_start3A_42 : memref<624x32xbf16, #tpu.memory_space<hbm>>) target_semaphore(%run_scoped3A : memref<!tpu.dma_semaphore, #tpu.memory_space<semaphore_mem>>)
        %dma_wait3A_45 = arith.constant 0 : i32
        %dma_wait3A_46 = arith.constant 0 : i32
        %dma_wait3A_47 = tpu.memref_slice %arg6[%arg0, %dma_wait3A_45, %dma_wait3A_46] : memref<2x10000x32xbf16, #tpu.memory_space<hbm>> -> memref<1x10000x32xbf16, #tpu.memory_space<hbm>>
        %dma_wait3A_48 = tpu.memref_squeeze %dma_wait3A_47 : memref<1x10000x32xbf16, #tpu.memory_space<hbm>> -> memref<10000x32xbf16, #tpu.memory_space<hbm>>
        %dma_wait3A_49 = arith.constant 0 : i32
        %dma_wait3A_50 = tpu.memref_slice %dma_wait3A_48[%mul3A_37, %dma_wait3A_49] : memref<10000x32xbf16, #tpu.memory_space<hbm>> -> memref<624x32xbf16, #tpu.memory_space<hbm>>
        %dma_wait3A_51 = arith.constant 0 : i32
        %dma_wait3A_52 = tpu.memref_slice %arg11[%mul3A_35, %dma_wait3A_51] : memref<10008x32xbf16, #tpu.memory_space<vmem_shared>> -> memref<624x32xbf16, #tpu.memory_space<vmem_shared>>
        tpu.wait_dma2 semaphore(%run_scoped3A : memref<!tpu.dma_semaphore, #tpu.memory_space<semaphore_mem>>) src(%dma_wait3A_52 : memref<624x32xbf16, #tpu.memory_space<vmem_shared>>) dst(%dma_wait3A_50 : memref<624x32xbf16, #tpu.memory_space<hbm>>)
        tpu.yield
      }) : () -> ()
    } else {
    }
    %eq3A_30 = arith.constant 15 : i32
    %eq3A_31 = arith.cmpi eq, %arg1, %eq3A_30 : i32
    %convert_element_type3A_32 = arith.extui %eq3A_31 : i1 to i32
    %cond3A_33 = arith.constant 0 : i32
    %cond3A_34 = arith.cmpi ne, %convert_element_type3A_32, %cond3A_33 : i32
    scf.if %cond3A_34 {
      "tpu.region"() ({
        %run_scoped3A = tpu.sem_alloc : memref<!tpu.dma_semaphore, #tpu.memory_space<semaphore_mem>>
        %dma_start3A = arith.constant 0 : i32
        %dma_start3A_35 = arith.constant 0 : i32
        %dma_start3A_36 = tpu.memref_slice %arg6[%arg0, %dma_start3A, %dma_start3A_35] : memref<2x10000x32xbf16, #tpu.memory_space<hbm>> -> memref<1x10000x32xbf16, #tpu.memory_space<hbm>>
        %dma_start3A_37 = tpu.memref_squeeze %dma_start3A_36 : memref<1x10000x32xbf16, #tpu.memory_space<hbm>> -> memref<10000x32xbf16, #tpu.memory_space<hbm>>
        %dma_start3A_38 = arith.constant 9360 : i32
        %dma_start3A_39 = arith.constant 0 : i32
        %dma_start3A_40 = tpu.memref_slice %dma_start3A_37[%dma_start3A_38, %dma_start3A_39] : memref<10000x32xbf16, #tpu.memory_space<hbm>> -> memref<640x32xbf16, #tpu.memory_space<hbm>>
        %dma_start3A_41 = arith.constant 9360 : i32
        %dma_start3A_42 = arith.constant 0 : i32
        %dma_start3A_43 = tpu.memref_slice %arg11[%dma_start3A_41, %dma_start3A_42] : memref<10008x32xbf16, #tpu.memory_space<vmem_shared>> -> memref<640x32xbf16, #tpu.memory_space<vmem_shared>>
        tpu.enqueue_dma source(%dma_start3A_43 : memref<640x32xbf16, #tpu.memory_space<vmem_shared>>) target(%dma_start3A_40 : memref<640x32xbf16, #tpu.memory_space<hbm>>) target_semaphore(%run_scoped3A : memref<!tpu.dma_semaphore, #tpu.memory_space<semaphore_mem>>)
        %dma_wait3A_44 = arith.constant 0 : i32
        %dma_wait3A_45 = arith.constant 0 : i32
        %dma_wait3A_46 = tpu.memref_slice %arg6[%arg0, %dma_wait3A_44, %dma_wait3A_45] : memref<2x10000x32xbf16, #tpu.memory_space<hbm>> -> memref<1x10000x32xbf16, #tpu.memory_space<hbm>>
        %dma_wait3A_47 = tpu.memref_squeeze %dma_wait3A_46 : memref<1x10000x32xbf16, #tpu.memory_space<hbm>> -> memref<10000x32xbf16, #tpu.memory_space<hbm>>
        %dma_wait3A_48 = arith.constant 9360 : i32
        %dma_wait3A_49 = arith.constant 0 : i32
        %dma_wait3A_50 = tpu.memref_slice %dma_wait3A_47[%dma_wait3A_48, %dma_wait3A_49] : memref<10000x32xbf16, #tpu.memory_space<hbm>> -> memref<640x32xbf16, #tpu.memory_space<hbm>>
        %dma_wait3A_51 = arith.constant 9360 : i32
        %dma_wait3A_52 = arith.constant 0 : i32
        %dma_wait3A_53 = tpu.memref_slice %arg11[%dma_wait3A_51, %dma_wait3A_52] : memref<10008x32xbf16, #tpu.memory_space<vmem_shared>> -> memref<640x32xbf16, #tpu.memory_space<vmem_shared>>
        tpu.wait_dma2 semaphore(%run_scoped3A : memref<!tpu.dma_semaphore, #tpu.memory_space<semaphore_mem>>) src(%dma_wait3A_53 : memref<640x32xbf16, #tpu.memory_space<vmem_shared>>) dst(%dma_wait3A_50 : memref<640x32xbf16, #tpu.memory_space<hbm>>)
        tpu.yield
      }) : () -> ()
    } else {
    }
    return
  }
}

#map = affine_map<(d0, d1) -> (0, 0, 0)>
#map1 = affine_map<(d0, d1) -> (0, 0)>
module attributes {stable_mosaic.version = 14 : i64} {
  func.func @body(%arg0: i32, %arg1: i32, %arg2: memref<2x10000x128xbf16, #tpu.memory_space<hbm>>, %arg3: memref<16x84x120xi32, #tpu.memory_space<hbm>>, %arg4: memref<16x84x120xi32, #tpu.memory_space<hbm>>, %arg5: memref<648x128xbf16, #tpu.memory_space<hbm>>, %arg6: memref<120x32xf32, #tpu.memory_space<hbm>>, %arg7: memref<648x32xf32, #tpu.memory_space<hbm>>, %arg8: memref<2x10000x128xbf16, #tpu.memory_space<hbm>>, %arg9: memref<10000x32xf32, #tpu.memory_space<hbm>>, %arg10: memref<84x120xi32, #tpu.memory_space<vmem>>, %arg11: memref<84x120xi32, #tpu.memory_space<vmem>>, %arg12: memref<120x128xbf16, #tpu.memory_space<vmem>>, %arg13: memref<120x128xbf16, #tpu.memory_space<vmem>>, %arg14: memref<10008x128xbf16, #tpu.memory_space<vmem_shared>>, %arg15: memref<!tpu.dma_semaphore, #tpu.memory_space<semaphore_mem>>, %arg16: memref<!tpu.dma_semaphore, #tpu.memory_space<semaphore_mem>>, %arg17: memref<!tpu.dma_semaphore, #tpu.memory_space<semaphore_mem>>, %arg18: memref<!tpu.dma_semaphore, #tpu.memory_space<semaphore_mem>>, %arg19: memref<120x32xf32, #tpu.memory_space<vmem>>, %arg20: memref<10008x32xf32, #tpu.memory_space<vmem_shared>>, %arg21: memref<!tpu.dma_semaphore, #tpu.memory_space<semaphore_mem>>) attributes {dimension_semantics = [#tpu.dimension_semantics<core_parallel>, #tpu.dimension_semantics<subcore_parallel>], iteration_bounds = array<i64: 2, 16>, scalar_prefetch = 0 : i64, scratch_operands = 12 : i64, tpu.core_type = #tpu.core_type<sc_vector_subcore>, window_params = [{transform_indices = #map}, {transform_indices = #map}, {transform_indices = #map}, {transform_indices = #map1}, {transform_indices = #map1}, {transform_indices = #map1}, {transform_indices = #map}, {transform_indices = #map1}]} {
    "tpu.region"() ({
      %run_scoped3A = tpu.sem_alloc : memref<!tpu.dma_semaphore, #tpu.memory_space<semaphore_mem>>
      %dma_start3A = arith.constant 0 : i32
      %dma_start3A_60 = arith.constant 0 : i32
      %dma_start3A_61 = tpu.memref_slice %arg3[%arg1, %dma_start3A, %dma_start3A_60] : memref<16x84x120xi32, #tpu.memory_space<hbm>> -> memref<1x84x120xi32, #tpu.memory_space<hbm>>
      %dma_start3A_62 = tpu.memref_squeeze %dma_start3A_61 : memref<1x84x120xi32, #tpu.memory_space<hbm>> -> memref<84x120xi32, #tpu.memory_space<hbm>>
      %dma_start3A_63 = arith.constant 0 : i32
      %dma_start3A_64 = arith.constant 0 : i32
      %dma_start3A_65 = tpu.memref_slice %arg3[%arg1, %dma_start3A_63, %dma_start3A_64] : memref<16x84x120xi32, #tpu.memory_space<hbm>> -> memref<1x84x120xi32, #tpu.memory_space<hbm>>
      %dma_start3A_66 = tpu.memref_squeeze %dma_start3A_65 : memref<1x84x120xi32, #tpu.memory_space<hbm>> -> memref<84x120xi32, #tpu.memory_space<hbm>>
      tpu.enqueue_dma source(%dma_start3A_66 : memref<84x120xi32, #tpu.memory_space<hbm>>) target(%arg10 : memref<84x120xi32, #tpu.memory_space<vmem>>) target_semaphore(%run_scoped3A : memref<!tpu.dma_semaphore, #tpu.memory_space<semaphore_mem>>)
      %dma_wait3A_67 = arith.constant 0 : i32
      %dma_wait3A_68 = arith.constant 0 : i32
      %dma_wait3A_69 = tpu.memref_slice %arg3[%arg1, %dma_wait3A_67, %dma_wait3A_68] : memref<16x84x120xi32, #tpu.memory_space<hbm>> -> memref<1x84x120xi32, #tpu.memory_space<hbm>>
      %dma_wait3A_70 = tpu.memref_squeeze %dma_wait3A_69 : memref<1x84x120xi32, #tpu.memory_space<hbm>> -> memref<84x120xi32, #tpu.memory_space<hbm>>
      %dma_wait3A_71 = arith.constant 0 : i32
      %dma_wait3A_72 = arith.constant 0 : i32
      %dma_wait3A_73 = tpu.memref_slice %arg3[%arg1, %dma_wait3A_71, %dma_wait3A_72] : memref<16x84x120xi32, #tpu.memory_space<hbm>> -> memref<1x84x120xi32, #tpu.memory_space<hbm>>
      %dma_wait3A_74 = tpu.memref_squeeze %dma_wait3A_73 : memref<1x84x120xi32, #tpu.memory_space<hbm>> -> memref<84x120xi32, #tpu.memory_space<hbm>>
      tpu.wait_dma2 semaphore(%run_scoped3A : memref<!tpu.dma_semaphore, #tpu.memory_space<semaphore_mem>>) src(%dma_wait3A_74 : memref<84x120xi32, #tpu.memory_space<hbm>>) dst(%arg10 : memref<84x120xi32, #tpu.memory_space<vmem>>)
      tpu.yield
    }) : () -> ()
    "tpu.region"() ({
      %run_scoped3A = tpu.sem_alloc : memref<!tpu.dma_semaphore, #tpu.memory_space<semaphore_mem>>
      %dma_start3A = arith.constant 0 : i32
      %dma_start3A_60 = arith.constant 0 : i32
      %dma_start3A_61 = tpu.memref_slice %arg4[%arg1, %dma_start3A, %dma_start3A_60] : memref<16x84x120xi32, #tpu.memory_space<hbm>> -> memref<1x84x120xi32, #tpu.memory_space<hbm>>
      %dma_start3A_62 = tpu.memref_squeeze %dma_start3A_61 : memref<1x84x120xi32, #tpu.memory_space<hbm>> -> memref<84x120xi32, #tpu.memory_space<hbm>>
      %dma_start3A_63 = arith.constant 0 : i32
      %dma_start3A_64 = arith.constant 0 : i32
      %dma_start3A_65 = tpu.memref_slice %arg4[%arg1, %dma_start3A_63, %dma_start3A_64] : memref<16x84x120xi32, #tpu.memory_space<hbm>> -> memref<1x84x120xi32, #tpu.memory_space<hbm>>
      %dma_start3A_66 = tpu.memref_squeeze %dma_start3A_65 : memref<1x84x120xi32, #tpu.memory_space<hbm>> -> memref<84x120xi32, #tpu.memory_space<hbm>>
      tpu.enqueue_dma source(%dma_start3A_66 : memref<84x120xi32, #tpu.memory_space<hbm>>) target(%arg11 : memref<84x120xi32, #tpu.memory_space<vmem>>) target_semaphore(%run_scoped3A : memref<!tpu.dma_semaphore, #tpu.memory_space<semaphore_mem>>)
      %dma_wait3A_67 = arith.constant 0 : i32
      %dma_wait3A_68 = arith.constant 0 : i32
      %dma_wait3A_69 = tpu.memref_slice %arg4[%arg1, %dma_wait3A_67, %dma_wait3A_68] : memref<16x84x120xi32, #tpu.memory_space<hbm>> -> memref<1x84x120xi32, #tpu.memory_space<hbm>>
      %dma_wait3A_70 = tpu.memref_squeeze %dma_wait3A_69 : memref<1x84x120xi32, #tpu.memory_space<hbm>> -> memref<84x120xi32, #tpu.memory_space<hbm>>
      %dma_wait3A_71 = arith.constant 0 : i32
      %dma_wait3A_72 = arith.constant 0 : i32
      %dma_wait3A_73 = tpu.memref_slice %arg4[%arg1, %dma_wait3A_71, %dma_wait3A_72] : memref<16x84x120xi32, #tpu.memory_space<hbm>> -> memref<1x84x120xi32, #tpu.memory_space<hbm>>
      %dma_wait3A_74 = tpu.memref_squeeze %dma_wait3A_73 : memref<1x84x120xi32, #tpu.memory_space<hbm>> -> memref<84x120xi32, #tpu.memory_space<hbm>>
      tpu.wait_dma2 semaphore(%run_scoped3A : memref<!tpu.dma_semaphore, #tpu.memory_space<semaphore_mem>>) src(%dma_wait3A_74 : memref<84x120xi32, #tpu.memory_space<hbm>>) dst(%arg11 : memref<84x120xi32, #tpu.memory_space<vmem>>)
      tpu.yield
    }) : () -> ()
    %lt3A = arith.constant 15 : i32
    %lt3A_0 = arith.cmpi slt, %arg1, %lt3A : i32
    %convert_element_type3A = arith.extui %lt3A_0 : i1 to i32
    %cond3A = arith.constant 0 : i32
    %cond3A_1 = arith.cmpi ne, %convert_element_type3A, %cond3A : i32
    scf.if %cond3A_1 {
      %mul3A = arith.constant 624 : i32
      %mul3A_60 = arith.muli %arg1, %mul3A : i32
      "tpu.region"() ({
        %run_scoped3A = tpu.sem_alloc : memref<!tpu.dma_semaphore, #tpu.memory_space<semaphore_mem>>
        %dma_start3A = arith.constant 0 : i32
        %dma_start3A_61 = tpu.memref_slice %arg14[%mul3A_60, %dma_start3A] : memref<10008x128xbf16, #tpu.memory_space<vmem_shared>> -> memref<624x128xbf16, #tpu.memory_space<vmem_shared>>
        %dma_start3A_62 = arith.constant 0 : i32
        %dma_start3A_63 = arith.constant 0 : i32
        %dma_start3A_64 = tpu.memref_slice %arg5[%dma_start3A_62, %dma_start3A_63] : memref<648x128xbf16, #tpu.memory_space<hbm>> -> memref<624x128xbf16, #tpu.memory_space<hbm>>
        tpu.enqueue_dma source(%dma_start3A_64 : memref<624x128xbf16, #tpu.memory_space<hbm>>) target(%dma_start3A_61 : memref<624x128xbf16, #tpu.memory_space<vmem_shared>>) target_semaphore(%run_scoped3A : memref<!tpu.dma_semaphore, #tpu.memory_space<semaphore_mem>>)
        %dma_wait3A_65 = arith.constant 0 : i32
        %dma_wait3A_66 = tpu.memref_slice %arg14[%mul3A_60, %dma_wait3A_65] : memref<10008x128xbf16, #tpu.memory_space<vmem_shared>> -> memref<624x128xbf16, #tpu.memory_space<vmem_shared>>
        %dma_wait3A_67 = arith.constant 0 : i32
        %dma_wait3A_68 = arith.constant 0 : i32
        %dma_wait3A_69 = tpu.memref_slice %arg5[%dma_wait3A_67, %dma_wait3A_68] : memref<648x128xbf16, #tpu.memory_space<hbm>> -> memref<624x128xbf16, #tpu.memory_space<hbm>>
        tpu.wait_dma2 semaphore(%run_scoped3A : memref<!tpu.dma_semaphore, #tpu.memory_space<semaphore_mem>>) src(%dma_wait3A_69 : memref<624x128xbf16, #tpu.memory_space<hbm>>) dst(%dma_wait3A_66 : memref<624x128xbf16, #tpu.memory_space<vmem_shared>>)
        tpu.yield
      }) : () -> ()
    } else {
    }
    %eq3A = arith.constant 15 : i32
    %eq3A_2 = arith.cmpi eq, %arg1, %eq3A : i32
    %convert_element_type3A_3 = arith.extui %eq3A_2 : i1 to i32
    %cond3A_4 = arith.constant 0 : i32
    %cond3A_5 = arith.cmpi ne, %convert_element_type3A_3, %cond3A_4 : i32
    scf.if %cond3A_5 {
      "tpu.region"() ({
        %run_scoped3A = tpu.sem_alloc : memref<!tpu.dma_semaphore, #tpu.memory_space<semaphore_mem>>
        %dma_start3A = arith.constant 9360 : i32
        %dma_start3A_60 = arith.constant 0 : i32
        %dma_start3A_61 = tpu.memref_slice %arg14[%dma_start3A, %dma_start3A_60] : memref<10008x128xbf16, #tpu.memory_space<vmem_shared>> -> memref<648x128xbf16, #tpu.memory_space<vmem_shared>>
        tpu.enqueue_dma source(%arg5 : memref<648x128xbf16, #tpu.memory_space<hbm>>) target(%dma_start3A_61 : memref<648x128xbf16, #tpu.memory_space<vmem_shared>>) target_semaphore(%run_scoped3A : memref<!tpu.dma_semaphore, #tpu.memory_space<semaphore_mem>>)
        %dma_wait3A_62 = arith.constant 9360 : i32
        %dma_wait3A_63 = arith.constant 0 : i32
        %dma_wait3A_64 = tpu.memref_slice %arg14[%dma_wait3A_62, %dma_wait3A_63] : memref<10008x128xbf16, #tpu.memory_space<vmem_shared>> -> memref<648x128xbf16, #tpu.memory_space<vmem_shared>>
        tpu.wait_dma2 semaphore(%run_scoped3A : memref<!tpu.dma_semaphore, #tpu.memory_space<semaphore_mem>>) src(%arg5 : memref<648x128xbf16, #tpu.memory_space<hbm>>) dst(%dma_wait3A_64 : memref<648x128xbf16, #tpu.memory_space<vmem_shared>>)
        tpu.yield
      }) : () -> ()
    } else {
    }
    %eq3A_6 = arith.constant 0 : i32
    %eq3A_7 = arith.cmpi eq, %arg0, %eq3A_6 : i32
    %convert_element_type3A_8 = arith.extui %eq3A_7 : i1 to i32
    %cond3A_9 = arith.constant 0 : i32
    %cond3A_10 = arith.cmpi ne, %convert_element_type3A_8, %cond3A_9 : i32
    scf.if %cond3A_10 {
      "tpu.region"() ({
        %run_scoped3A = tpu.sem_alloc : memref<!tpu.dma_semaphore, #tpu.memory_space<semaphore_mem>>
        tpu.enqueue_dma source(%arg6 : memref<120x32xf32, #tpu.memory_space<hbm>>) target(%arg19 : memref<120x32xf32, #tpu.memory_space<vmem>>) target_semaphore(%run_scoped3A : memref<!tpu.dma_semaphore, #tpu.memory_space<semaphore_mem>>)
        tpu.wait_dma2 semaphore(%run_scoped3A : memref<!tpu.dma_semaphore, #tpu.memory_space<semaphore_mem>>) src(%arg6 : memref<120x32xf32, #tpu.memory_space<hbm>>) dst(%arg19 : memref<120x32xf32, #tpu.memory_space<vmem>>)
        tpu.yield
      }) : () -> ()
      %lt3A_60 = arith.constant 15 : i32
      %lt3A_61 = arith.cmpi slt, %arg1, %lt3A_60 : i32
      %convert_element_type3A_62 = arith.extui %lt3A_61 : i1 to i32
      %cond3A_63 = arith.constant 0 : i32
      %cond3A_64 = arith.cmpi ne, %convert_element_type3A_62, %cond3A_63 : i32
      scf.if %cond3A_64 {
        %mul3A = arith.constant 624 : i32
        %mul3A_70 = arith.muli %arg1, %mul3A : i32
        "tpu.region"() ({
          %run_scoped3A = tpu.sem_alloc : memref<!tpu.dma_semaphore, #tpu.memory_space<semaphore_mem>>
          %dma_start3A = arith.constant 0 : i32
          %dma_start3A_71 = tpu.memref_slice %arg20[%mul3A_70, %dma_start3A] : memref<10008x32xf32, #tpu.memory_space<vmem_shared>> -> memref<624x32xf32, #tpu.memory_space<vmem_shared>>
          %dma_start3A_72 = arith.constant 0 : i32
          %dma_start3A_73 = arith.constant 0 : i32
          %dma_start3A_74 = tpu.memref_slice %arg7[%dma_start3A_72, %dma_start3A_73] : memref<648x32xf32, #tpu.memory_space<hbm>> -> memref<624x32xf32, #tpu.memory_space<hbm>>
          tpu.enqueue_dma source(%dma_start3A_74 : memref<624x32xf32, #tpu.memory_space<hbm>>) target(%dma_start3A_71 : memref<624x32xf32, #tpu.memory_space<vmem_shared>>) target_semaphore(%run_scoped3A : memref<!tpu.dma_semaphore, #tpu.memory_space<semaphore_mem>>)
          %dma_wait3A_75 = arith.constant 0 : i32
          %dma_wait3A_76 = tpu.memref_slice %arg20[%mul3A_70, %dma_wait3A_75] : memref<10008x32xf32, #tpu.memory_space<vmem_shared>> -> memref<624x32xf32, #tpu.memory_space<vmem_shared>>
          %dma_wait3A_77 = arith.constant 0 : i32
          %dma_wait3A_78 = arith.constant 0 : i32
          %dma_wait3A_79 = tpu.memref_slice %arg7[%dma_wait3A_77, %dma_wait3A_78] : memref<648x32xf32, #tpu.memory_space<hbm>> -> memref<624x32xf32, #tpu.memory_space<hbm>>
          tpu.wait_dma2 semaphore(%run_scoped3A : memref<!tpu.dma_semaphore, #tpu.memory_space<semaphore_mem>>) src(%dma_wait3A_79 : memref<624x32xf32, #tpu.memory_space<hbm>>) dst(%dma_wait3A_76 : memref<624x32xf32, #tpu.memory_space<vmem_shared>>)
          tpu.yield
        }) : () -> ()
      } else {
      }
      %eq3A_65 = arith.constant 15 : i32
      %eq3A_66 = arith.cmpi eq, %arg1, %eq3A_65 : i32
      %convert_element_type3A_67 = arith.extui %eq3A_66 : i1 to i32
      %cond3A_68 = arith.constant 0 : i32
      %cond3A_69 = arith.cmpi ne, %convert_element_type3A_67, %cond3A_68 : i32
      scf.if %cond3A_69 {
        "tpu.region"() ({
          %run_scoped3A = tpu.sem_alloc : memref<!tpu.dma_semaphore, #tpu.memory_space<semaphore_mem>>
          %dma_start3A = arith.constant 9360 : i32
          %dma_start3A_70 = arith.constant 0 : i32
          %dma_start3A_71 = tpu.memref_slice %arg20[%dma_start3A, %dma_start3A_70] : memref<10008x32xf32, #tpu.memory_space<vmem_shared>> -> memref<648x32xf32, #tpu.memory_space<vmem_shared>>
          tpu.enqueue_dma source(%arg7 : memref<648x32xf32, #tpu.memory_space<hbm>>) target(%dma_start3A_71 : memref<648x32xf32, #tpu.memory_space<vmem_shared>>) target_semaphore(%run_scoped3A : memref<!tpu.dma_semaphore, #tpu.memory_space<semaphore_mem>>)
          %dma_wait3A_72 = arith.constant 9360 : i32
          %dma_wait3A_73 = arith.constant 0 : i32
          %dma_wait3A_74 = tpu.memref_slice %arg20[%dma_wait3A_72, %dma_wait3A_73] : memref<10008x32xf32, #tpu.memory_space<vmem_shared>> -> memref<648x32xf32, #tpu.memory_space<vmem_shared>>
          tpu.wait_dma2 semaphore(%run_scoped3A : memref<!tpu.dma_semaphore, #tpu.memory_space<semaphore_mem>>) src(%arg7 : memref<648x32xf32, #tpu.memory_space<hbm>>) dst(%dma_wait3A_74 : memref<648x32xf32, #tpu.memory_space<vmem_shared>>)
          tpu.yield
        }) : () -> ()
      } else {
      }
    } else {
    }
    %barrier3A = arith.constant 0 : index
    tpu.barrier barrier_id(%barrier3A)
    %scan3A = arith.constant 0 : i32
    %scan3A_11 = arith.constant 0 : i32
    %scan3A_12 = arith.constant 42 : i32
    %scan3A_13 = arith.addi %scan3A_11, %scan3A_12 : i32
    %scan3A_14 = arith.constant 1 : i32
    scf.for %scan3A_60 = %scan3A_11 to %scan3A_13 step %scan3A_14  : i32 {
      %mul3A = arith.constant 2 : i32
      %mul3A_61 = arith.muli %mul3A, %scan3A_60 : i32
      %gt3A = arith.constant 0 : i32
      %gt3A_62 = arith.cmpi sgt, %scan3A_60, %gt3A : i32
      %convert_element_type3A_63 = arith.extui %gt3A_62 : i1 to i32
      %cond3A_64 = arith.constant 0 : i32
      %cond3A_65 = arith.cmpi ne, %convert_element_type3A_63, %cond3A_64 : i32
      scf.if %cond3A_65 {
        %dma_wait3A_133 = arith.constant 0 : i32
        %dma_wait3A_134 = arith.constant 0 : i32
        %dma_wait3A_135 = tpu.memref_slice %arg11[%dma_wait3A_133, %dma_wait3A_134] : memref<84x120xi32, #tpu.memory_space<vmem>> -> memref<1x120xi32, #tpu.memory_space<vmem>>
        %dma_wait3A_136 = tpu.memref_squeeze %dma_wait3A_135 : memref<1x120xi32, #tpu.memory_space<vmem>> -> memref<120xi32, #tpu.memory_space<vmem>>
        %dma_wait3A_137 = arith.constant 0 : i32
        %dma_wait3A_138 = arith.constant 0 : i32
        %dma_wait3A_139 = tpu.memref_slice %arg14[%dma_wait3A_137, %dma_wait3A_138] : memref<10008x128xbf16, #tpu.memory_space<vmem_shared>> -> memref<10008x128xbf16, #tpu.memory_space<vmem_shared>>
        tpu.wait_indirect_dma semaphore(%arg17 : memref<!tpu.dma_semaphore, #tpu.memory_space<semaphore_mem>>) src(%arg12 : memref<120x128xbf16, #tpu.memory_space<vmem>>) dst(%dma_wait3A_139 : memref<10008x128xbf16, #tpu.memory_space<vmem_shared>>)
        %dma_wait3A_140 = arith.constant 0 : i32
        %dma_wait3A_141 = arith.constant 0 : i32
        %dma_wait3A_142 = tpu.memref_slice %arg11[%dma_wait3A_140, %dma_wait3A_141] : memref<84x120xi32, #tpu.memory_space<vmem>> -> memref<1x120xi32, #tpu.memory_space<vmem>>
        %dma_wait3A_143 = tpu.memref_squeeze %dma_wait3A_142 : memref<1x120xi32, #tpu.memory_space<vmem>> -> memref<120xi32, #tpu.memory_space<vmem>>
        %dma_wait3A_144 = arith.constant 0 : i32
        %dma_wait3A_145 = arith.constant 0 : i32
        %dma_wait3A_146 = tpu.memref_slice %arg14[%dma_wait3A_144, %dma_wait3A_145] : memref<10008x128xbf16, #tpu.memory_space<vmem_shared>> -> memref<10008x128xbf16, #tpu.memory_space<vmem_shared>>
        tpu.wait_indirect_dma semaphore(%arg18 : memref<!tpu.dma_semaphore, #tpu.memory_space<semaphore_mem>>) src(%arg13 : memref<120x128xbf16, #tpu.memory_space<vmem>>) dst(%dma_wait3A_146 : memref<10008x128xbf16, #tpu.memory_space<vmem_shared>>)
      } else {
      }
      %eq3A_66 = arith.constant 0 : i32
      %eq3A_67 = arith.cmpi eq, %arg0, %eq3A_66 : i32
      %gt3A_68 = arith.constant 0 : i32
      %gt3A_69 = arith.cmpi sgt, %scan3A_60, %gt3A_68 : i32
      %and3A_70 = arith.andi %eq3A_67, %gt3A_69 : i1
      %convert_element_type3A_71 = arith.extui %and3A_70 : i1 to i32
      %cond3A_72 = arith.constant 0 : i32
      %cond3A_73 = arith.cmpi ne, %convert_element_type3A_71, %cond3A_72 : i32
      scf.if %cond3A_73 {
        %dma_wait3A_133 = arith.constant 0 : i32
        %dma_wait3A_134 = arith.constant 0 : i32
        %dma_wait3A_135 = tpu.memref_slice %arg11[%dma_wait3A_133, %dma_wait3A_134] : memref<84x120xi32, #tpu.memory_space<vmem>> -> memref<1x120xi32, #tpu.memory_space<vmem>>
        %dma_wait3A_136 = tpu.memref_squeeze %dma_wait3A_135 : memref<1x120xi32, #tpu.memory_space<vmem>> -> memref<120xi32, #tpu.memory_space<vmem>>
        %dma_wait3A_137 = arith.constant 0 : i32
        %dma_wait3A_138 = arith.constant 0 : i32
        %dma_wait3A_139 = tpu.memref_slice %arg20[%dma_wait3A_137, %dma_wait3A_138] : memref<10008x32xf32, #tpu.memory_space<vmem_shared>> -> memref<10008x32xf32, #tpu.memory_space<vmem_shared>>
        tpu.wait_indirect_dma semaphore(%arg21 : memref<!tpu.dma_semaphore, #tpu.memory_space<semaphore_mem>>) src(%arg19 : memref<120x32xf32, #tpu.memory_space<vmem>>) dst(%dma_wait3A_139 : memref<10008x32xf32, #tpu.memory_space<vmem_shared>>)
        %dma_wait3A_140 = arith.constant 0 : i32
        %dma_wait3A_141 = arith.constant 0 : i32
        %dma_wait3A_142 = tpu.memref_slice %arg11[%dma_wait3A_140, %dma_wait3A_141] : memref<84x120xi32, #tpu.memory_space<vmem>> -> memref<1x120xi32, #tpu.memory_space<vmem>>
        %dma_wait3A_143 = tpu.memref_squeeze %dma_wait3A_142 : memref<1x120xi32, #tpu.memory_space<vmem>> -> memref<120xi32, #tpu.memory_space<vmem>>
        %dma_wait3A_144 = arith.constant 0 : i32
        %dma_wait3A_145 = arith.constant 0 : i32
        %dma_wait3A_146 = tpu.memref_slice %arg20[%dma_wait3A_144, %dma_wait3A_145] : memref<10008x32xf32, #tpu.memory_space<vmem_shared>> -> memref<10008x32xf32, #tpu.memory_space<vmem_shared>>
        tpu.wait_indirect_dma semaphore(%arg21 : memref<!tpu.dma_semaphore, #tpu.memory_space<semaphore_mem>>) src(%arg19 : memref<120x32xf32, #tpu.memory_space<vmem>>) dst(%dma_wait3A_146 : memref<10008x32xf32, #tpu.memory_space<vmem_shared>>)
      } else {
      }
      %dma_start3A = arith.constant 0 : i32
      %dma_start3A_74 = tpu.memref_slice %arg10[%mul3A_61, %dma_start3A] : memref<84x120xi32, #tpu.memory_space<vmem>> -> memref<1x120xi32, #tpu.memory_space<vmem>>
      %dma_start3A_75 = tpu.memref_squeeze %dma_start3A_74 : memref<1x120xi32, #tpu.memory_space<vmem>> -> memref<120xi32, #tpu.memory_space<vmem>>
      %dma_start3A_76 = arith.constant 0 : i32
      %dma_start3A_77 = arith.constant 0 : i32
      %dma_start3A_78 = tpu.memref_slice %arg2[%arg0, %dma_start3A_76, %dma_start3A_77] : memref<2x10000x128xbf16, #tpu.memory_space<hbm>> -> memref<1x10000x128xbf16, #tpu.memory_space<hbm>>
      %dma_start3A_79 = tpu.memref_squeeze %dma_start3A_78 : memref<1x10000x128xbf16, #tpu.memory_space<hbm>> -> memref<10000x128xbf16, #tpu.memory_space<hbm>>
      %dma_start3A_80 = arith.constant 0 : i32
      %dma_start3A_81 = arith.constant 0 : i32
      %dma_start3A_82 = tpu.memref_slice %dma_start3A_79[%dma_start3A_80, %dma_start3A_81] : memref<10000x128xbf16, #tpu.memory_space<hbm>> -> memref<10000x128xbf16, #tpu.memory_space<hbm>>
      tpu.enqueue_indirect_dma source(%dma_start3A_82 : memref<10000x128xbf16, #tpu.memory_space<hbm>>) target(%arg12 : memref<120x128xbf16, #tpu.memory_space<vmem>>) offsets(%dma_start3A_75 : memref<120xi32, #tpu.memory_space<vmem>>) semaphore(%arg15 : memref<!tpu.dma_semaphore, #tpu.memory_space<semaphore_mem>>)
      %add3A = arith.constant 1 : i32
      %add3A_83 = arith.addi %mul3A_61, %add3A : i32
      %dma_start3A_84 = arith.constant 0 : i32
      %dma_start3A_85 = tpu.memref_slice %arg10[%add3A_83, %dma_start3A_84] : memref<84x120xi32, #tpu.memory_space<vmem>> -> memref<1x120xi32, #tpu.memory_space<vmem>>
      %dma_start3A_86 = tpu.memref_squeeze %dma_start3A_85 : memref<1x120xi32, #tpu.memory_space<vmem>> -> memref<120xi32, #tpu.memory_space<vmem>>
      %dma_start3A_87 = arith.constant 0 : i32
      %dma_start3A_88 = arith.constant 0 : i32
      %dma_start3A_89 = tpu.memref_slice %arg2[%arg0, %dma_start3A_87, %dma_start3A_88] : memref<2x10000x128xbf16, #tpu.memory_space<hbm>> -> memref<1x10000x128xbf16, #tpu.memory_space<hbm>>
      %dma_start3A_90 = tpu.memref_squeeze %dma_start3A_89 : memref<1x10000x128xbf16, #tpu.memory_space<hbm>> -> memref<10000x128xbf16, #tpu.memory_space<hbm>>
      %dma_start3A_91 = arith.constant 0 : i32
      %dma_start3A_92 = arith.constant 0 : i32
      %dma_start3A_93 = tpu.memref_slice %dma_start3A_90[%dma_start3A_91, %dma_start3A_92] : memref<10000x128xbf16, #tpu.memory_space<hbm>> -> memref<10000x128xbf16, #tpu.memory_space<hbm>>
      tpu.enqueue_indirect_dma source(%dma_start3A_93 : memref<10000x128xbf16, #tpu.memory_space<hbm>>) target(%arg13 : memref<120x128xbf16, #tpu.memory_space<vmem>>) offsets(%dma_start3A_86 : memref<120xi32, #tpu.memory_space<vmem>>) semaphore(%arg16 : memref<!tpu.dma_semaphore, #tpu.memory_space<semaphore_mem>>)
      %eq3A_94 = arith.constant 0 : i32
      %eq3A_95 = arith.cmpi eq, %arg0, %eq3A_94 : i32
      %convert_element_type3A_96 = arith.extui %eq3A_95 : i1 to i32
      %cond3A_97 = arith.constant 0 : i32
      %cond3A_98 = arith.cmpi ne, %convert_element_type3A_96, %cond3A_97 : i32
      scf.if %cond3A_98 {
        %dma_start3A_133 = arith.constant 0 : i32
        %dma_start3A_134 = tpu.memref_slice %arg11[%mul3A_61, %dma_start3A_133] : memref<84x120xi32, #tpu.memory_space<vmem>> -> memref<1x120xi32, #tpu.memory_space<vmem>>
        %dma_start3A_135 = tpu.memref_squeeze %dma_start3A_134 : memref<1x120xi32, #tpu.memory_space<vmem>> -> memref<120xi32, #tpu.memory_space<vmem>>
        %dma_start3A_136 = arith.constant 0 : i32
        %dma_start3A_137 = arith.constant 0 : i32
        %dma_start3A_138 = tpu.memref_slice %arg20[%dma_start3A_136, %dma_start3A_137] : memref<10008x32xf32, #tpu.memory_space<vmem_shared>> -> memref<10008x32xf32, #tpu.memory_space<vmem_shared>>
        tpu.enqueue_indirect_dma source(%arg19 : memref<120x32xf32, #tpu.memory_space<vmem>>) target(%dma_start3A_138 : memref<10008x32xf32, #tpu.memory_space<vmem_shared>>) offsets(%dma_start3A_135 : memref<120xi32, #tpu.memory_space<vmem>>) semaphore(%arg21 : memref<!tpu.dma_semaphore, #tpu.memory_space<semaphore_mem>>) {add = true}
        %add3A_139 = arith.constant 1 : i32
        %add3A_140 = arith.addi %mul3A_61, %add3A_139 : i32
        %dma_start3A_141 = arith.constant 0 : i32
        %dma_start3A_142 = tpu.memref_slice %arg11[%add3A_140, %dma_start3A_141] : memref<84x120xi32, #tpu.memory_space<vmem>> -> memref<1x120xi32, #tpu.memory_space<vmem>>
        %dma_start3A_143 = tpu.memref_squeeze %dma_start3A_142 : memref<1x120xi32, #tpu.memory_space<vmem>> -> memref<120xi32, #tpu.memory_space<vmem>>
        %dma_start3A_144 = arith.constant 0 : i32
        %dma_start3A_145 = arith.constant 0 : i32
        %dma_start3A_146 = tpu.memref_slice %arg20[%dma_start3A_144, %dma_start3A_145] : memref<10008x32xf32, #tpu.memory_space<vmem_shared>> -> memref<10008x32xf32, #tpu.memory_space<vmem_shared>>
        tpu.enqueue_indirect_dma source(%arg19 : memref<120x32xf32, #tpu.memory_space<vmem>>) target(%dma_start3A_146 : memref<10008x32xf32, #tpu.memory_space<vmem_shared>>) offsets(%dma_start3A_143 : memref<120xi32, #tpu.memory_space<vmem>>) semaphore(%arg21 : memref<!tpu.dma_semaphore, #tpu.memory_space<semaphore_mem>>) {add = true}
      } else {
      }
      %dma_wait3A_99 = arith.constant 0 : i32
      %dma_wait3A_100 = tpu.memref_slice %arg10[%mul3A_61, %dma_wait3A_99] : memref<84x120xi32, #tpu.memory_space<vmem>> -> memref<1x120xi32, #tpu.memory_space<vmem>>
      %dma_wait3A_101 = tpu.memref_squeeze %dma_wait3A_100 : memref<1x120xi32, #tpu.memory_space<vmem>> -> memref<120xi32, #tpu.memory_space<vmem>>
      %dma_wait3A_102 = arith.constant 0 : i32
      %dma_wait3A_103 = arith.constant 0 : i32
      %dma_wait3A_104 = tpu.memref_slice %arg2[%arg0, %dma_wait3A_102, %dma_wait3A_103] : memref<2x10000x128xbf16, #tpu.memory_space<hbm>> -> memref<1x10000x128xbf16, #tpu.memory_space<hbm>>
      %dma_wait3A_105 = tpu.memref_squeeze %dma_wait3A_104 : memref<1x10000x128xbf16, #tpu.memory_space<hbm>> -> memref<10000x128xbf16, #tpu.memory_space<hbm>>
      %dma_wait3A_106 = arith.constant 0 : i32
      %dma_wait3A_107 = arith.constant 0 : i32
      %dma_wait3A_108 = tpu.memref_slice %dma_wait3A_105[%dma_wait3A_106, %dma_wait3A_107] : memref<10000x128xbf16, #tpu.memory_space<hbm>> -> memref<10000x128xbf16, #tpu.memory_space<hbm>>
      tpu.wait_indirect_dma semaphore(%arg15 : memref<!tpu.dma_semaphore, #tpu.memory_space<semaphore_mem>>) src(%dma_wait3A_108 : memref<10000x128xbf16, #tpu.memory_space<hbm>>) dst(%arg12 : memref<120x128xbf16, #tpu.memory_space<vmem>>)
      %dma_start3A_109 = arith.constant 0 : i32
      %dma_start3A_110 = tpu.memref_slice %arg11[%mul3A_61, %dma_start3A_109] : memref<84x120xi32, #tpu.memory_space<vmem>> -> memref<1x120xi32, #tpu.memory_space<vmem>>
      %dma_start3A_111 = tpu.memref_squeeze %dma_start3A_110 : memref<1x120xi32, #tpu.memory_space<vmem>> -> memref<120xi32, #tpu.memory_space<vmem>>
      %dma_start3A_112 = arith.constant 0 : i32
      %dma_start3A_113 = arith.constant 0 : i32
      %dma_start3A_114 = tpu.memref_slice %arg14[%dma_start3A_112, %dma_start3A_113] : memref<10008x128xbf16, #tpu.memory_space<vmem_shared>> -> memref<10008x128xbf16, #tpu.memory_space<vmem_shared>>
      tpu.enqueue_indirect_dma source(%arg12 : memref<120x128xbf16, #tpu.memory_space<vmem>>) target(%dma_start3A_114 : memref<10008x128xbf16, #tpu.memory_space<vmem_shared>>) offsets(%dma_start3A_111 : memref<120xi32, #tpu.memory_space<vmem>>) semaphore(%arg17 : memref<!tpu.dma_semaphore, #tpu.memory_space<semaphore_mem>>) {add = true}
      %dma_wait3A_115 = arith.constant 0 : i32
      %dma_wait3A_116 = tpu.memref_slice %arg10[%add3A_83, %dma_wait3A_115] : memref<84x120xi32, #tpu.memory_space<vmem>> -> memref<1x120xi32, #tpu.memory_space<vmem>>
      %dma_wait3A_117 = tpu.memref_squeeze %dma_wait3A_116 : memref<1x120xi32, #tpu.memory_space<vmem>> -> memref<120xi32, #tpu.memory_space<vmem>>
      %dma_wait3A_118 = arith.constant 0 : i32
      %dma_wait3A_119 = arith.constant 0 : i32
      %dma_wait3A_120 = tpu.memref_slice %arg2[%arg0, %dma_wait3A_118, %dma_wait3A_119] : memref<2x10000x128xbf16, #tpu.memory_space<hbm>> -> memref<1x10000x128xbf16, #tpu.memory_space<hbm>>
      %dma_wait3A_121 = tpu.memref_squeeze %dma_wait3A_120 : memref<1x10000x128xbf16, #tpu.memory_space<hbm>> -> memref<10000x128xbf16, #tpu.memory_space<hbm>>
      %dma_wait3A_122 = arith.constant 0 : i32
      %dma_wait3A_123 = arith.constant 0 : i32
      %dma_wait3A_124 = tpu.memref_slice %dma_wait3A_121[%dma_wait3A_122, %dma_wait3A_123] : memref<10000x128xbf16, #tpu.memory_space<hbm>> -> memref<10000x128xbf16, #tpu.memory_space<hbm>>
      tpu.wait_indirect_dma semaphore(%arg16 : memref<!tpu.dma_semaphore, #tpu.memory_space<semaphore_mem>>) src(%dma_wait3A_124 : memref<10000x128xbf16, #tpu.memory_space<hbm>>) dst(%arg13 : memref<120x128xbf16, #tpu.memory_space<vmem>>)
      %add3A_125 = arith.constant 1 : i32
      %add3A_126 = arith.addi %mul3A_61, %add3A_125 : i32
      %dma_start3A_127 = arith.constant 0 : i32
      %dma_start3A_128 = tpu.memref_slice %arg11[%add3A_126, %dma_start3A_127] : memref<84x120xi32, #tpu.memory_space<vmem>> -> memref<1x120xi32, #tpu.memory_space<vmem>>
      %dma_start3A_129 = tpu.memref_squeeze %dma_start3A_128 : memref<1x120xi32, #tpu.memory_space<vmem>> -> memref<120xi32, #tpu.memory_space<vmem>>
      %dma_start3A_130 = arith.constant 0 : i32
      %dma_start3A_131 = arith.constant 0 : i32
      %dma_start3A_132 = tpu.memref_slice %arg14[%dma_start3A_130, %dma_start3A_131] : memref<10008x128xbf16, #tpu.memory_space<vmem_shared>> -> memref<10008x128xbf16, #tpu.memory_space<vmem_shared>>
      tpu.enqueue_indirect_dma source(%arg13 : memref<120x128xbf16, #tpu.memory_space<vmem>>) target(%dma_start3A_132 : memref<10008x128xbf16, #tpu.memory_space<vmem_shared>>) offsets(%dma_start3A_129 : memref<120xi32, #tpu.memory_space<vmem>>) semaphore(%arg18 : memref<!tpu.dma_semaphore, #tpu.memory_space<semaphore_mem>>) {add = true}
    }
    %scan3A_15 = arith.constant 42 : i32
    %dma_wait3A = arith.constant 0 : i32
    %dma_wait3A_16 = arith.constant 0 : i32
    %dma_wait3A_17 = tpu.memref_slice %arg11[%dma_wait3A, %dma_wait3A_16] : memref<84x120xi32, #tpu.memory_space<vmem>> -> memref<1x120xi32, #tpu.memory_space<vmem>>
    %dma_wait3A_18 = tpu.memref_squeeze %dma_wait3A_17 : memref<1x120xi32, #tpu.memory_space<vmem>> -> memref<120xi32, #tpu.memory_space<vmem>>
    %dma_wait3A_19 = arith.constant 0 : i32
    %dma_wait3A_20 = arith.constant 0 : i32
    %dma_wait3A_21 = tpu.memref_slice %arg14[%dma_wait3A_19, %dma_wait3A_20] : memref<10008x128xbf16, #tpu.memory_space<vmem_shared>> -> memref<10008x128xbf16, #tpu.memory_space<vmem_shared>>
    tpu.wait_indirect_dma semaphore(%arg17 : memref<!tpu.dma_semaphore, #tpu.memory_space<semaphore_mem>>) src(%arg12 : memref<120x128xbf16, #tpu.memory_space<vmem>>) dst(%dma_wait3A_21 : memref<10008x128xbf16, #tpu.memory_space<vmem_shared>>)
    %dma_wait3A_22 = arith.constant 0 : i32
    %dma_wait3A_23 = arith.constant 0 : i32
    %dma_wait3A_24 = tpu.memref_slice %arg11[%dma_wait3A_22, %dma_wait3A_23] : memref<84x120xi32, #tpu.memory_space<vmem>> -> memref<1x120xi32, #tpu.memory_space<vmem>>
    %dma_wait3A_25 = tpu.memref_squeeze %dma_wait3A_24 : memref<1x120xi32, #tpu.memory_space<vmem>> -> memref<120xi32, #tpu.memory_space<vmem>>
    %dma_wait3A_26 = arith.constant 0 : i32
    %dma_wait3A_27 = arith.constant 0 : i32
    %dma_wait3A_28 = tpu.memref_slice %arg14[%dma_wait3A_26, %dma_wait3A_27] : memref<10008x128xbf16, #tpu.memory_space<vmem_shared>> -> memref<10008x128xbf16, #tpu.memory_space<vmem_shared>>
    tpu.wait_indirect_dma semaphore(%arg18 : memref<!tpu.dma_semaphore, #tpu.memory_space<semaphore_mem>>) src(%arg13 : memref<120x128xbf16, #tpu.memory_space<vmem>>) dst(%dma_wait3A_28 : memref<10008x128xbf16, #tpu.memory_space<vmem_shared>>)
    %eq3A_29 = arith.constant 0 : i32
    %eq3A_30 = arith.cmpi eq, %arg0, %eq3A_29 : i32
    %convert_element_type3A_31 = arith.extui %eq3A_30 : i1 to i32
    %cond3A_32 = arith.constant 0 : i32
    %cond3A_33 = arith.cmpi ne, %convert_element_type3A_31, %cond3A_32 : i32
    scf.if %cond3A_33 {
      %dma_wait3A_60 = arith.constant 0 : i32
      %dma_wait3A_61 = arith.constant 0 : i32
      %dma_wait3A_62 = tpu.memref_slice %arg11[%dma_wait3A_60, %dma_wait3A_61] : memref<84x120xi32, #tpu.memory_space<vmem>> -> memref<1x120xi32, #tpu.memory_space<vmem>>
      %dma_wait3A_63 = tpu.memref_squeeze %dma_wait3A_62 : memref<1x120xi32, #tpu.memory_space<vmem>> -> memref<120xi32, #tpu.memory_space<vmem>>
      %dma_wait3A_64 = arith.constant 0 : i32
      %dma_wait3A_65 = arith.constant 0 : i32
      %dma_wait3A_66 = tpu.memref_slice %arg20[%dma_wait3A_64, %dma_wait3A_65] : memref<10008x32xf32, #tpu.memory_space<vmem_shared>> -> memref<10008x32xf32, #tpu.memory_space<vmem_shared>>
      tpu.wait_indirect_dma semaphore(%arg21 : memref<!tpu.dma_semaphore, #tpu.memory_space<semaphore_mem>>) src(%arg19 : memref<120x32xf32, #tpu.memory_space<vmem>>) dst(%dma_wait3A_66 : memref<10008x32xf32, #tpu.memory_space<vmem_shared>>)
      %dma_wait3A_67 = arith.constant 0 : i32
      %dma_wait3A_68 = arith.constant 0 : i32
      %dma_wait3A_69 = tpu.memref_slice %arg11[%dma_wait3A_67, %dma_wait3A_68] : memref<84x120xi32, #tpu.memory_space<vmem>> -> memref<1x120xi32, #tpu.memory_space<vmem>>
      %dma_wait3A_70 = tpu.memref_squeeze %dma_wait3A_69 : memref<1x120xi32, #tpu.memory_space<vmem>> -> memref<120xi32, #tpu.memory_space<vmem>>
      %dma_wait3A_71 = arith.constant 0 : i32
      %dma_wait3A_72 = arith.constant 0 : i32
      %dma_wait3A_73 = tpu.memref_slice %arg20[%dma_wait3A_71, %dma_wait3A_72] : memref<10008x32xf32, #tpu.memory_space<vmem_shared>> -> memref<10008x32xf32, #tpu.memory_space<vmem_shared>>
      tpu.wait_indirect_dma semaphore(%arg21 : memref<!tpu.dma_semaphore, #tpu.memory_space<semaphore_mem>>) src(%arg19 : memref<120x32xf32, #tpu.memory_space<vmem>>) dst(%dma_wait3A_73 : memref<10008x32xf32, #tpu.memory_space<vmem_shared>>)
    } else {
    }
    %barrier3A_34 = arith.constant 0 : index
    tpu.barrier barrier_id(%barrier3A_34)
    %lt3A_35 = arith.constant 15 : i32
    %lt3A_36 = arith.cmpi slt, %arg1, %lt3A_35 : i32
    %convert_element_type3A_37 = arith.extui %lt3A_36 : i1 to i32
    %cond3A_38 = arith.constant 0 : i32
    %cond3A_39 = arith.cmpi ne, %convert_element_type3A_37, %cond3A_38 : i32
    scf.if %cond3A_39 {
      %mul3A = arith.constant 624 : i32
      %mul3A_60 = arith.muli %arg1, %mul3A : i32
      %mul3A_61 = arith.constant 624 : i32
      %mul3A_62 = arith.muli %arg1, %mul3A_61 : i32
      "tpu.region"() ({
        %run_scoped3A = tpu.sem_alloc : memref<!tpu.dma_semaphore, #tpu.memory_space<semaphore_mem>>
        %dma_start3A = arith.constant 0 : i32
        %dma_start3A_63 = arith.constant 0 : i32
        %dma_start3A_64 = tpu.memref_slice %arg8[%arg0, %dma_start3A, %dma_start3A_63] : memref<2x10000x128xbf16, #tpu.memory_space<hbm>> -> memref<1x10000x128xbf16, #tpu.memory_space<hbm>>
        %dma_start3A_65 = tpu.memref_squeeze %dma_start3A_64 : memref<1x10000x128xbf16, #tpu.memory_space<hbm>> -> memref<10000x128xbf16, #tpu.memory_space<hbm>>
        %dma_start3A_66 = arith.constant 0 : i32
        %dma_start3A_67 = tpu.memref_slice %dma_start3A_65[%mul3A_62, %dma_start3A_66] : memref<10000x128xbf16, #tpu.memory_space<hbm>> -> memref<624x128xbf16, #tpu.memory_space<hbm>>
        %dma_start3A_68 = arith.constant 0 : i32
        %dma_start3A_69 = tpu.memref_slice %arg14[%mul3A_60, %dma_start3A_68] : memref<10008x128xbf16, #tpu.memory_space<vmem_shared>> -> memref<624x128xbf16, #tpu.memory_space<vmem_shared>>
        tpu.enqueue_dma source(%dma_start3A_69 : memref<624x128xbf16, #tpu.memory_space<vmem_shared>>) target(%dma_start3A_67 : memref<624x128xbf16, #tpu.memory_space<hbm>>) target_semaphore(%run_scoped3A : memref<!tpu.dma_semaphore, #tpu.memory_space<semaphore_mem>>)
        %dma_wait3A_70 = arith.constant 0 : i32
        %dma_wait3A_71 = arith.constant 0 : i32
        %dma_wait3A_72 = tpu.memref_slice %arg8[%arg0, %dma_wait3A_70, %dma_wait3A_71] : memref<2x10000x128xbf16, #tpu.memory_space<hbm>> -> memref<1x10000x128xbf16, #tpu.memory_space<hbm>>
        %dma_wait3A_73 = tpu.memref_squeeze %dma_wait3A_72 : memref<1x10000x128xbf16, #tpu.memory_space<hbm>> -> memref<10000x128xbf16, #tpu.memory_space<hbm>>
        %dma_wait3A_74 = arith.constant 0 : i32
        %dma_wait3A_75 = tpu.memref_slice %dma_wait3A_73[%mul3A_62, %dma_wait3A_74] : memref<10000x128xbf16, #tpu.memory_space<hbm>> -> memref<624x128xbf16, #tpu.memory_space<hbm>>
        %dma_wait3A_76 = arith.constant 0 : i32
        %dma_wait3A_77 = tpu.memref_slice %arg14[%mul3A_60, %dma_wait3A_76] : memref<10008x128xbf16, #tpu.memory_space<vmem_shared>> -> memref<624x128xbf16, #tpu.memory_space<vmem_shared>>
        tpu.wait_dma2 semaphore(%run_scoped3A : memref<!tpu.dma_semaphore, #tpu.memory_space<semaphore_mem>>) src(%dma_wait3A_77 : memref<624x128xbf16, #tpu.memory_space<vmem_shared>>) dst(%dma_wait3A_75 : memref<624x128xbf16, #tpu.memory_space<hbm>>)
        tpu.yield
      }) : () -> ()
    } else {
    }
    %eq3A_40 = arith.constant 15 : i32
    %eq3A_41 = arith.cmpi eq, %arg1, %eq3A_40 : i32
    %convert_element_type3A_42 = arith.extui %eq3A_41 : i1 to i32
    %cond3A_43 = arith.constant 0 : i32
    %cond3A_44 = arith.cmpi ne, %convert_element_type3A_42, %cond3A_43 : i32
    scf.if %cond3A_44 {
      "tpu.region"() ({
        %run_scoped3A = tpu.sem_alloc : memref<!tpu.dma_semaphore, #tpu.memory_space<semaphore_mem>>
        %dma_start3A = arith.constant 0 : i32
        %dma_start3A_60 = arith.constant 0 : i32
        %dma_start3A_61 = tpu.memref_slice %arg8[%arg0, %dma_start3A, %dma_start3A_60] : memref<2x10000x128xbf16, #tpu.memory_space<hbm>> -> memref<1x10000x128xbf16, #tpu.memory_space<hbm>>
        %dma_start3A_62 = tpu.memref_squeeze %dma_start3A_61 : memref<1x10000x128xbf16, #tpu.memory_space<hbm>> -> memref<10000x128xbf16, #tpu.memory_space<hbm>>
        %dma_start3A_63 = arith.constant 9360 : i32
        %dma_start3A_64 = arith.constant 0 : i32
        %dma_start3A_65 = tpu.memref_slice %dma_start3A_62[%dma_start3A_63, %dma_start3A_64] : memref<10000x128xbf16, #tpu.memory_space<hbm>> -> memref<640x128xbf16, #tpu.memory_space<hbm>>
        %dma_start3A_66 = arith.constant 9360 : i32
        %dma_start3A_67 = arith.constant 0 : i32
        %dma_start3A_68 = tpu.memref_slice %arg14[%dma_start3A_66, %dma_start3A_67] : memref<10008x128xbf16, #tpu.memory_space<vmem_shared>> -> memref<640x128xbf16, #tpu.memory_space<vmem_shared>>
        tpu.enqueue_dma source(%dma_start3A_68 : memref<640x128xbf16, #tpu.memory_space<vmem_shared>>) target(%dma_start3A_65 : memref<640x128xbf16, #tpu.memory_space<hbm>>) target_semaphore(%run_scoped3A : memref<!tpu.dma_semaphore, #tpu.memory_space<semaphore_mem>>)
        %dma_wait3A_69 = arith.constant 0 : i32
        %dma_wait3A_70 = arith.constant 0 : i32
        %dma_wait3A_71 = tpu.memref_slice %arg8[%arg0, %dma_wait3A_69, %dma_wait3A_70] : memref<2x10000x128xbf16, #tpu.memory_space<hbm>> -> memref<1x10000x128xbf16, #tpu.memory_space<hbm>>
        %dma_wait3A_72 = tpu.memref_squeeze %dma_wait3A_71 : memref<1x10000x128xbf16, #tpu.memory_space<hbm>> -> memref<10000x128xbf16, #tpu.memory_space<hbm>>
        %dma_wait3A_73 = arith.constant 9360 : i32
        %dma_wait3A_74 = arith.constant 0 : i32
        %dma_wait3A_75 = tpu.memref_slice %dma_wait3A_72[%dma_wait3A_73, %dma_wait3A_74] : memref<10000x128xbf16, #tpu.memory_space<hbm>> -> memref<640x128xbf16, #tpu.memory_space<hbm>>
        %dma_wait3A_76 = arith.constant 9360 : i32
        %dma_wait3A_77 = arith.constant 0 : i32
        %dma_wait3A_78 = tpu.memref_slice %arg14[%dma_wait3A_76, %dma_wait3A_77] : memref<10008x128xbf16, #tpu.memory_space<vmem_shared>> -> memref<640x128xbf16, #tpu.memory_space<vmem_shared>>
        tpu.wait_dma2 semaphore(%run_scoped3A : memref<!tpu.dma_semaphore, #tpu.memory_space<semaphore_mem>>) src(%dma_wait3A_78 : memref<640x128xbf16, #tpu.memory_space<vmem_shared>>) dst(%dma_wait3A_75 : memref<640x128xbf16, #tpu.memory_space<hbm>>)
        tpu.yield
      }) : () -> ()
    } else {
    }
    %eq3A_45 = arith.constant 0 : i32
    %eq3A_46 = arith.cmpi eq, %arg0, %eq3A_45 : i32
    %lt3A_47 = arith.constant 15 : i32
    %lt3A_48 = arith.cmpi slt, %arg1, %lt3A_47 : i32
    %and3A = arith.andi %eq3A_46, %lt3A_48 : i1
    %convert_element_type3A_49 = arith.extui %and3A : i1 to i32
    %cond3A_50 = arith.constant 0 : i32
    %cond3A_51 = arith.cmpi ne, %convert_element_type3A_49, %cond3A_50 : i32
    scf.if %cond3A_51 {
      %mul3A = arith.constant 624 : i32
      %mul3A_60 = arith.muli %arg1, %mul3A : i32
      %mul3A_61 = arith.constant 624 : i32
      %mul3A_62 = arith.muli %arg1, %mul3A_61 : i32
      "tpu.region"() ({
        %run_scoped3A = tpu.sem_alloc : memref<!tpu.dma_semaphore, #tpu.memory_space<semaphore_mem>>
        %dma_start3A = arith.constant 0 : i32
        %dma_start3A_63 = tpu.memref_slice %arg9[%mul3A_62, %dma_start3A] : memref<10000x32xf32, #tpu.memory_space<hbm>> -> memref<624x32xf32, #tpu.memory_space<hbm>>
        %dma_start3A_64 = arith.constant 0 : i32
        %dma_start3A_65 = tpu.memref_slice %arg20[%mul3A_60, %dma_start3A_64] : memref<10008x32xf32, #tpu.memory_space<vmem_shared>> -> memref<624x32xf32, #tpu.memory_space<vmem_shared>>
        tpu.enqueue_dma source(%dma_start3A_65 : memref<624x32xf32, #tpu.memory_space<vmem_shared>>) target(%dma_start3A_63 : memref<624x32xf32, #tpu.memory_space<hbm>>) target_semaphore(%run_scoped3A : memref<!tpu.dma_semaphore, #tpu.memory_space<semaphore_mem>>)
        %dma_wait3A_66 = arith.constant 0 : i32
        %dma_wait3A_67 = tpu.memref_slice %arg9[%mul3A_62, %dma_wait3A_66] : memref<10000x32xf32, #tpu.memory_space<hbm>> -> memref<624x32xf32, #tpu.memory_space<hbm>>
        %dma_wait3A_68 = arith.constant 0 : i32
        %dma_wait3A_69 = tpu.memref_slice %arg20[%mul3A_60, %dma_wait3A_68] : memref<10008x32xf32, #tpu.memory_space<vmem_shared>> -> memref<624x32xf32, #tpu.memory_space<vmem_shared>>
        tpu.wait_dma2 semaphore(%run_scoped3A : memref<!tpu.dma_semaphore, #tpu.memory_space<semaphore_mem>>) src(%dma_wait3A_69 : memref<624x32xf32, #tpu.memory_space<vmem_shared>>) dst(%dma_wait3A_67 : memref<624x32xf32, #tpu.memory_space<hbm>>)
        tpu.yield
      }) : () -> ()
    } else {
    }
    %eq3A_52 = arith.constant 0 : i32
    %eq3A_53 = arith.cmpi eq, %arg0, %eq3A_52 : i32
    %eq3A_54 = arith.constant 15 : i32
    %eq3A_55 = arith.cmpi eq, %arg1, %eq3A_54 : i32
    %and3A_56 = arith.andi %eq3A_53, %eq3A_55 : i1
    %convert_element_type3A_57 = arith.extui %and3A_56 : i1 to i32
    %cond3A_58 = arith.constant 0 : i32
    %cond3A_59 = arith.cmpi ne, %convert_element_type3A_57, %cond3A_58 : i32
    scf.if %cond3A_59 {
      "tpu.region"() ({
        %run_scoped3A = tpu.sem_alloc : memref<!tpu.dma_semaphore, #tpu.memory_space<semaphore_mem>>
        %dma_start3A = arith.constant 9360 : i32
        %dma_start3A_60 = arith.constant 0 : i32
        %dma_start3A_61 = tpu.memref_slice %arg9[%dma_start3A, %dma_start3A_60] : memref<10000x32xf32, #tpu.memory_space<hbm>> -> memref<640x32xf32, #tpu.memory_space<hbm>>
        %dma_start3A_62 = arith.constant 9360 : i32
        %dma_start3A_63 = arith.constant 0 : i32
        %dma_start3A_64 = tpu.memref_slice %arg20[%dma_start3A_62, %dma_start3A_63] : memref<10008x32xf32, #tpu.memory_space<vmem_shared>> -> memref<640x32xf32, #tpu.memory_space<vmem_shared>>
        tpu.enqueue_dma source(%dma_start3A_64 : memref<640x32xf32, #tpu.memory_space<vmem_shared>>) target(%dma_start3A_61 : memref<640x32xf32, #tpu.memory_space<hbm>>) target_semaphore(%run_scoped3A : memref<!tpu.dma_semaphore, #tpu.memory_space<semaphore_mem>>)
        %dma_wait3A_65 = arith.constant 9360 : i32
        %dma_wait3A_66 = arith.constant 0 : i32
        %dma_wait3A_67 = tpu.memref_slice %arg9[%dma_wait3A_65, %dma_wait3A_66] : memref<10000x32xf32, #tpu.memory_space<hbm>> -> memref<640x32xf32, #tpu.memory_space<hbm>>
        %dma_wait3A_68 = arith.constant 9360 : i32
        %dma_wait3A_69 = arith.constant 0 : i32
        %dma_wait3A_70 = tpu.memref_slice %arg20[%dma_wait3A_68, %dma_wait3A_69] : memref<10008x32xf32, #tpu.memory_space<vmem_shared>> -> memref<640x32xf32, #tpu.memory_space<vmem_shared>>
        tpu.wait_dma2 semaphore(%run_scoped3A : memref<!tpu.dma_semaphore, #tpu.memory_space<semaphore_mem>>) src(%dma_wait3A_70 : memref<640x32xf32, #tpu.memory_space<vmem_shared>>) dst(%dma_wait3A_67 : memref<640x32xf32, #tpu.memory_space<hbm>>)
        tpu.yield
      }) : () -> ()
    } else {
    }
    return
  }
}

#map = affine_map<(d0, d1) -> (0, 0, 0)>
#map1 = affine_map<(d0, d1) -> (0, 0)>
module attributes {stable_mosaic.version = 14 : i64} {
  func.func @body(%arg0: i32, %arg1: i32, %arg2: memref<2x10000x128xbf16, #tpu.memory_space<hbm>>, %arg3: memref<16x84x120xi32, #tpu.memory_space<hbm>>, %arg4: memref<16x84x120xi32, #tpu.memory_space<hbm>>, %arg5: memref<648x128xbf16, #tpu.memory_space<hbm>>, %arg6: memref<2x10000x128xbf16, #tpu.memory_space<hbm>>, %arg7: memref<84x120xi32, #tpu.memory_space<vmem>>, %arg8: memref<84x120xi32, #tpu.memory_space<vmem>>, %arg9: memref<120x128xbf16, #tpu.memory_space<vmem>>, %arg10: memref<120x128xbf16, #tpu.memory_space<vmem>>, %arg11: memref<10008x128xbf16, #tpu.memory_space<vmem_shared>>, %arg12: memref<!tpu.dma_semaphore, #tpu.memory_space<semaphore_mem>>, %arg13: memref<!tpu.dma_semaphore, #tpu.memory_space<semaphore_mem>>, %arg14: memref<!tpu.dma_semaphore, #tpu.memory_space<semaphore_mem>>, %arg15: memref<!tpu.dma_semaphore, #tpu.memory_space<semaphore_mem>>) attributes {dimension_semantics = [#tpu.dimension_semantics<core_parallel>, #tpu.dimension_semantics<subcore_parallel>], iteration_bounds = array<i64: 2, 16>, scalar_prefetch = 0 : i64, scratch_operands = 9 : i64, tpu.core_type = #tpu.core_type<sc_vector_subcore>, window_params = [{transform_indices = #map}, {transform_indices = #map}, {transform_indices = #map}, {transform_indices = #map1}, {transform_indices = #map}]} {
    "tpu.region"() ({
      %run_scoped3A = tpu.sem_alloc : memref<!tpu.dma_semaphore, #tpu.memory_space<semaphore_mem>>
      %dma_start3A = arith.constant 0 : i32
      %dma_start3A_35 = arith.constant 0 : i32
      %dma_start3A_36 = tpu.memref_slice %arg3[%arg1, %dma_start3A, %dma_start3A_35] : memref<16x84x120xi32, #tpu.memory_space<hbm>> -> memref<1x84x120xi32, #tpu.memory_space<hbm>>
      %dma_start3A_37 = tpu.memref_squeeze %dma_start3A_36 : memref<1x84x120xi32, #tpu.memory_space<hbm>> -> memref<84x120xi32, #tpu.memory_space<hbm>>
      %dma_start3A_38 = arith.constant 0 : i32
      %dma_start3A_39 = arith.constant 0 : i32
      %dma_start3A_40 = tpu.memref_slice %arg3[%arg1, %dma_start3A_38, %dma_start3A_39] : memref<16x84x120xi32, #tpu.memory_space<hbm>> -> memref<1x84x120xi32, #tpu.memory_space<hbm>>
      %dma_start3A_41 = tpu.memref_squeeze %dma_start3A_40 : memref<1x84x120xi32, #tpu.memory_space<hbm>> -> memref<84x120xi32, #tpu.memory_space<hbm>>
      tpu.enqueue_dma source(%dma_start3A_41 : memref<84x120xi32, #tpu.memory_space<hbm>>) target(%arg7 : memref<84x120xi32, #tpu.memory_space<vmem>>) target_semaphore(%run_scoped3A : memref<!tpu.dma_semaphore, #tpu.memory_space<semaphore_mem>>)
      %dma_wait3A_42 = arith.constant 0 : i32
      %dma_wait3A_43 = arith.constant 0 : i32
      %dma_wait3A_44 = tpu.memref_slice %arg3[%arg1, %dma_wait3A_42, %dma_wait3A_43] : memref<16x84x120xi32, #tpu.memory_space<hbm>> -> memref<1x84x120xi32, #tpu.memory_space<hbm>>
      %dma_wait3A_45 = tpu.memref_squeeze %dma_wait3A_44 : memref<1x84x120xi32, #tpu.memory_space<hbm>> -> memref<84x120xi32, #tpu.memory_space<hbm>>
      %dma_wait3A_46 = arith.constant 0 : i32
      %dma_wait3A_47 = arith.constant 0 : i32
      %dma_wait3A_48 = tpu.memref_slice %arg3[%arg1, %dma_wait3A_46, %dma_wait3A_47] : memref<16x84x120xi32, #tpu.memory_space<hbm>> -> memref<1x84x120xi32, #tpu.memory_space<hbm>>
      %dma_wait3A_49 = tpu.memref_squeeze %dma_wait3A_48 : memref<1x84x120xi32, #tpu.memory_space<hbm>> -> memref<84x120xi32, #tpu.memory_space<hbm>>
      tpu.wait_dma2 semaphore(%run_scoped3A : memref<!tpu.dma_semaphore, #tpu.memory_space<semaphore_mem>>) src(%dma_wait3A_49 : memref<84x120xi32, #tpu.memory_space<hbm>>) dst(%arg7 : memref<84x120xi32, #tpu.memory_space<vmem>>)
      tpu.yield
    }) : () -> ()
    "tpu.region"() ({
      %run_scoped3A = tpu.sem_alloc : memref<!tpu.dma_semaphore, #tpu.memory_space<semaphore_mem>>
      %dma_start3A = arith.constant 0 : i32
      %dma_start3A_35 = arith.constant 0 : i32
      %dma_start3A_36 = tpu.memref_slice %arg4[%arg1, %dma_start3A, %dma_start3A_35] : memref<16x84x120xi32, #tpu.memory_space<hbm>> -> memref<1x84x120xi32, #tpu.memory_space<hbm>>
      %dma_start3A_37 = tpu.memref_squeeze %dma_start3A_36 : memref<1x84x120xi32, #tpu.memory_space<hbm>> -> memref<84x120xi32, #tpu.memory_space<hbm>>
      %dma_start3A_38 = arith.constant 0 : i32
      %dma_start3A_39 = arith.constant 0 : i32
      %dma_start3A_40 = tpu.memref_slice %arg4[%arg1, %dma_start3A_38, %dma_start3A_39] : memref<16x84x120xi32, #tpu.memory_space<hbm>> -> memref<1x84x120xi32, #tpu.memory_space<hbm>>
      %dma_start3A_41 = tpu.memref_squeeze %dma_start3A_40 : memref<1x84x120xi32, #tpu.memory_space<hbm>> -> memref<84x120xi32, #tpu.memory_space<hbm>>
      tpu.enqueue_dma source(%dma_start3A_41 : memref<84x120xi32, #tpu.memory_space<hbm>>) target(%arg8 : memref<84x120xi32, #tpu.memory_space<vmem>>) target_semaphore(%run_scoped3A : memref<!tpu.dma_semaphore, #tpu.memory_space<semaphore_mem>>)
      %dma_wait3A_42 = arith.constant 0 : i32
      %dma_wait3A_43 = arith.constant 0 : i32
      %dma_wait3A_44 = tpu.memref_slice %arg4[%arg1, %dma_wait3A_42, %dma_wait3A_43] : memref<16x84x120xi32, #tpu.memory_space<hbm>> -> memref<1x84x120xi32, #tpu.memory_space<hbm>>
      %dma_wait3A_45 = tpu.memref_squeeze %dma_wait3A_44 : memref<1x84x120xi32, #tpu.memory_space<hbm>> -> memref<84x120xi32, #tpu.memory_space<hbm>>
      %dma_wait3A_46 = arith.constant 0 : i32
      %dma_wait3A_47 = arith.constant 0 : i32
      %dma_wait3A_48 = tpu.memref_slice %arg4[%arg1, %dma_wait3A_46, %dma_wait3A_47] : memref<16x84x120xi32, #tpu.memory_space<hbm>> -> memref<1x84x120xi32, #tpu.memory_space<hbm>>
      %dma_wait3A_49 = tpu.memref_squeeze %dma_wait3A_48 : memref<1x84x120xi32, #tpu.memory_space<hbm>> -> memref<84x120xi32, #tpu.memory_space<hbm>>
      tpu.wait_dma2 semaphore(%run_scoped3A : memref<!tpu.dma_semaphore, #tpu.memory_space<semaphore_mem>>) src(%dma_wait3A_49 : memref<84x120xi32, #tpu.memory_space<hbm>>) dst(%arg8 : memref<84x120xi32, #tpu.memory_space<vmem>>)
      tpu.yield
    }) : () -> ()
    %lt3A = arith.constant 15 : i32
    %lt3A_0 = arith.cmpi slt, %arg1, %lt3A : i32
    %convert_element_type3A = arith.extui %lt3A_0 : i1 to i32
    %cond3A = arith.constant 0 : i32
    %cond3A_1 = arith.cmpi ne, %convert_element_type3A, %cond3A : i32
    scf.if %cond3A_1 {
      %mul3A = arith.constant 624 : i32
      %mul3A_35 = arith.muli %arg1, %mul3A : i32
      "tpu.region"() ({
        %run_scoped3A = tpu.sem_alloc : memref<!tpu.dma_semaphore, #tpu.memory_space<semaphore_mem>>
        %dma_start3A = arith.constant 0 : i32
        %dma_start3A_36 = tpu.memref_slice %arg11[%mul3A_35, %dma_start3A] : memref<10008x128xbf16, #tpu.memory_space<vmem_shared>> -> memref<624x128xbf16, #tpu.memory_space<vmem_shared>>
        %dma_start3A_37 = arith.constant 0 : i32
        %dma_start3A_38 = arith.constant 0 : i32
        %dma_start3A_39 = tpu.memref_slice %arg5[%dma_start3A_37, %dma_start3A_38] : memref<648x128xbf16, #tpu.memory_space<hbm>> -> memref<624x128xbf16, #tpu.memory_space<hbm>>
        tpu.enqueue_dma source(%dma_start3A_39 : memref<624x128xbf16, #tpu.memory_space<hbm>>) target(%dma_start3A_36 : memref<624x128xbf16, #tpu.memory_space<vmem_shared>>) target_semaphore(%run_scoped3A : memref<!tpu.dma_semaphore, #tpu.memory_space<semaphore_mem>>)
        %dma_wait3A_40 = arith.constant 0 : i32
        %dma_wait3A_41 = tpu.memref_slice %arg11[%mul3A_35, %dma_wait3A_40] : memref<10008x128xbf16, #tpu.memory_space<vmem_shared>> -> memref<624x128xbf16, #tpu.memory_space<vmem_shared>>
        %dma_wait3A_42 = arith.constant 0 : i32
        %dma_wait3A_43 = arith.constant 0 : i32
        %dma_wait3A_44 = tpu.memref_slice %arg5[%dma_wait3A_42, %dma_wait3A_43] : memref<648x128xbf16, #tpu.memory_space<hbm>> -> memref<624x128xbf16, #tpu.memory_space<hbm>>
        tpu.wait_dma2 semaphore(%run_scoped3A : memref<!tpu.dma_semaphore, #tpu.memory_space<semaphore_mem>>) src(%dma_wait3A_44 : memref<624x128xbf16, #tpu.memory_space<hbm>>) dst(%dma_wait3A_41 : memref<624x128xbf16, #tpu.memory_space<vmem_shared>>)
        tpu.yield
      }) : () -> ()
    } else {
    }
    %eq3A = arith.constant 15 : i32
    %eq3A_2 = arith.cmpi eq, %arg1, %eq3A : i32
    %convert_element_type3A_3 = arith.extui %eq3A_2 : i1 to i32
    %cond3A_4 = arith.constant 0 : i32
    %cond3A_5 = arith.cmpi ne, %convert_element_type3A_3, %cond3A_4 : i32
    scf.if %cond3A_5 {
      "tpu.region"() ({
        %run_scoped3A = tpu.sem_alloc : memref<!tpu.dma_semaphore, #tpu.memory_space<semaphore_mem>>
        %dma_start3A = arith.constant 9360 : i32
        %dma_start3A_35 = arith.constant 0 : i32
        %dma_start3A_36 = tpu.memref_slice %arg11[%dma_start3A, %dma_start3A_35] : memref<10008x128xbf16, #tpu.memory_space<vmem_shared>> -> memref<648x128xbf16, #tpu.memory_space<vmem_shared>>
        tpu.enqueue_dma source(%arg5 : memref<648x128xbf16, #tpu.memory_space<hbm>>) target(%dma_start3A_36 : memref<648x128xbf16, #tpu.memory_space<vmem_shared>>) target_semaphore(%run_scoped3A : memref<!tpu.dma_semaphore, #tpu.memory_space<semaphore_mem>>)
        %dma_wait3A_37 = arith.constant 9360 : i32
        %dma_wait3A_38 = arith.constant 0 : i32
        %dma_wait3A_39 = tpu.memref_slice %arg11[%dma_wait3A_37, %dma_wait3A_38] : memref<10008x128xbf16, #tpu.memory_space<vmem_shared>> -> memref<648x128xbf16, #tpu.memory_space<vmem_shared>>
        tpu.wait_dma2 semaphore(%run_scoped3A : memref<!tpu.dma_semaphore, #tpu.memory_space<semaphore_mem>>) src(%arg5 : memref<648x128xbf16, #tpu.memory_space<hbm>>) dst(%dma_wait3A_39 : memref<648x128xbf16, #tpu.memory_space<vmem_shared>>)
        tpu.yield
      }) : () -> ()
    } else {
    }
    %barrier3A = arith.constant 0 : index
    tpu.barrier barrier_id(%barrier3A)
    %scan3A = arith.constant 0 : i32
    %scan3A_6 = arith.constant 0 : i32
    %scan3A_7 = arith.constant 42 : i32
    %scan3A_8 = arith.addi %scan3A_6, %scan3A_7 : i32
    %scan3A_9 = arith.constant 1 : i32
    scf.for %scan3A_35 = %scan3A_6 to %scan3A_8 step %scan3A_9  : i32 {
      %mul3A = arith.constant 2 : i32
      %mul3A_36 = arith.muli %mul3A, %scan3A_35 : i32
      %gt3A = arith.constant 0 : i32
      %gt3A_37 = arith.cmpi sgt, %scan3A_35, %gt3A : i32
      %convert_element_type3A_38 = arith.extui %gt3A_37 : i1 to i32
      %cond3A_39 = arith.constant 0 : i32
      %cond3A_40 = arith.cmpi ne, %convert_element_type3A_38, %cond3A_39 : i32
      scf.if %cond3A_40 {
        %dma_wait3A_95 = arith.constant 0 : i32
        %dma_wait3A_96 = arith.constant 0 : i32
        %dma_wait3A_97 = tpu.memref_slice %arg8[%dma_wait3A_95, %dma_wait3A_96] : memref<84x120xi32, #tpu.memory_space<vmem>> -> memref<1x120xi32, #tpu.memory_space<vmem>>
        %dma_wait3A_98 = tpu.memref_squeeze %dma_wait3A_97 : memref<1x120xi32, #tpu.memory_space<vmem>> -> memref<120xi32, #tpu.memory_space<vmem>>
        %dma_wait3A_99 = arith.constant 0 : i32
        %dma_wait3A_100 = arith.constant 0 : i32
        %dma_wait3A_101 = tpu.memref_slice %arg11[%dma_wait3A_99, %dma_wait3A_100] : memref<10008x128xbf16, #tpu.memory_space<vmem_shared>> -> memref<10008x128xbf16, #tpu.memory_space<vmem_shared>>
        tpu.wait_indirect_dma semaphore(%arg14 : memref<!tpu.dma_semaphore, #tpu.memory_space<semaphore_mem>>) src(%arg9 : memref<120x128xbf16, #tpu.memory_space<vmem>>) dst(%dma_wait3A_101 : memref<10008x128xbf16, #tpu.memory_space<vmem_shared>>)
        %dma_wait3A_102 = arith.constant 0 : i32
        %dma_wait3A_103 = arith.constant 0 : i32
        %dma_wait3A_104 = tpu.memref_slice %arg8[%dma_wait3A_102, %dma_wait3A_103] : memref<84x120xi32, #tpu.memory_space<vmem>> -> memref<1x120xi32, #tpu.memory_space<vmem>>
        %dma_wait3A_105 = tpu.memref_squeeze %dma_wait3A_104 : memref<1x120xi32, #tpu.memory_space<vmem>> -> memref<120xi32, #tpu.memory_space<vmem>>
        %dma_wait3A_106 = arith.constant 0 : i32
        %dma_wait3A_107 = arith.constant 0 : i32
        %dma_wait3A_108 = tpu.memref_slice %arg11[%dma_wait3A_106, %dma_wait3A_107] : memref<10008x128xbf16, #tpu.memory_space<vmem_shared>> -> memref<10008x128xbf16, #tpu.memory_space<vmem_shared>>
        tpu.wait_indirect_dma semaphore(%arg15 : memref<!tpu.dma_semaphore, #tpu.memory_space<semaphore_mem>>) src(%arg10 : memref<120x128xbf16, #tpu.memory_space<vmem>>) dst(%dma_wait3A_108 : memref<10008x128xbf16, #tpu.memory_space<vmem_shared>>)
      } else {
      }
      %dma_start3A = arith.constant 0 : i32
      %dma_start3A_41 = tpu.memref_slice %arg7[%mul3A_36, %dma_start3A] : memref<84x120xi32, #tpu.memory_space<vmem>> -> memref<1x120xi32, #tpu.memory_space<vmem>>
      %dma_start3A_42 = tpu.memref_squeeze %dma_start3A_41 : memref<1x120xi32, #tpu.memory_space<vmem>> -> memref<120xi32, #tpu.memory_space<vmem>>
      %dma_start3A_43 = arith.constant 0 : i32
      %dma_start3A_44 = arith.constant 0 : i32
      %dma_start3A_45 = tpu.memref_slice %arg2[%arg0, %dma_start3A_43, %dma_start3A_44] : memref<2x10000x128xbf16, #tpu.memory_space<hbm>> -> memref<1x10000x128xbf16, #tpu.memory_space<hbm>>
      %dma_start3A_46 = tpu.memref_squeeze %dma_start3A_45 : memref<1x10000x128xbf16, #tpu.memory_space<hbm>> -> memref<10000x128xbf16, #tpu.memory_space<hbm>>
      %dma_start3A_47 = arith.constant 0 : i32
      %dma_start3A_48 = arith.constant 0 : i32
      %dma_start3A_49 = tpu.memref_slice %dma_start3A_46[%dma_start3A_47, %dma_start3A_48] : memref<10000x128xbf16, #tpu.memory_space<hbm>> -> memref<10000x128xbf16, #tpu.memory_space<hbm>>
      tpu.enqueue_indirect_dma source(%dma_start3A_49 : memref<10000x128xbf16, #tpu.memory_space<hbm>>) target(%arg9 : memref<120x128xbf16, #tpu.memory_space<vmem>>) offsets(%dma_start3A_42 : memref<120xi32, #tpu.memory_space<vmem>>) semaphore(%arg12 : memref<!tpu.dma_semaphore, #tpu.memory_space<semaphore_mem>>)
      %add3A = arith.constant 1 : i32
      %add3A_50 = arith.addi %mul3A_36, %add3A : i32
      %dma_start3A_51 = arith.constant 0 : i32
      %dma_start3A_52 = tpu.memref_slice %arg7[%add3A_50, %dma_start3A_51] : memref<84x120xi32, #tpu.memory_space<vmem>> -> memref<1x120xi32, #tpu.memory_space<vmem>>
      %dma_start3A_53 = tpu.memref_squeeze %dma_start3A_52 : memref<1x120xi32, #tpu.memory_space<vmem>> -> memref<120xi32, #tpu.memory_space<vmem>>
      %dma_start3A_54 = arith.constant 0 : i32
      %dma_start3A_55 = arith.constant 0 : i32
      %dma_start3A_56 = tpu.memref_slice %arg2[%arg0, %dma_start3A_54, %dma_start3A_55] : memref<2x10000x128xbf16, #tpu.memory_space<hbm>> -> memref<1x10000x128xbf16, #tpu.memory_space<hbm>>
      %dma_start3A_57 = tpu.memref_squeeze %dma_start3A_56 : memref<1x10000x128xbf16, #tpu.memory_space<hbm>> -> memref<10000x128xbf16, #tpu.memory_space<hbm>>
      %dma_start3A_58 = arith.constant 0 : i32
      %dma_start3A_59 = arith.constant 0 : i32
      %dma_start3A_60 = tpu.memref_slice %dma_start3A_57[%dma_start3A_58, %dma_start3A_59] : memref<10000x128xbf16, #tpu.memory_space<hbm>> -> memref<10000x128xbf16, #tpu.memory_space<hbm>>
      tpu.enqueue_indirect_dma source(%dma_start3A_60 : memref<10000x128xbf16, #tpu.memory_space<hbm>>) target(%arg10 : memref<120x128xbf16, #tpu.memory_space<vmem>>) offsets(%dma_start3A_53 : memref<120xi32, #tpu.memory_space<vmem>>) semaphore(%arg13 : memref<!tpu.dma_semaphore, #tpu.memory_space<semaphore_mem>>)
      %dma_wait3A_61 = arith.constant 0 : i32
      %dma_wait3A_62 = tpu.memref_slice %arg7[%mul3A_36, %dma_wait3A_61] : memref<84x120xi32, #tpu.memory_space<vmem>> -> memref<1x120xi32, #tpu.memory_space<vmem>>
      %dma_wait3A_63 = tpu.memref_squeeze %dma_wait3A_62 : memref<1x120xi32, #tpu.memory_space<vmem>> -> memref<120xi32, #tpu.memory_space<vmem>>
      %dma_wait3A_64 = arith.constant 0 : i32
      %dma_wait3A_65 = arith.constant 0 : i32
      %dma_wait3A_66 = tpu.memref_slice %arg2[%arg0, %dma_wait3A_64, %dma_wait3A_65] : memref<2x10000x128xbf16, #tpu.memory_space<hbm>> -> memref<1x10000x128xbf16, #tpu.memory_space<hbm>>
      %dma_wait3A_67 = tpu.memref_squeeze %dma_wait3A_66 : memref<1x10000x128xbf16, #tpu.memory_space<hbm>> -> memref<10000x128xbf16, #tpu.memory_space<hbm>>
      %dma_wait3A_68 = arith.constant 0 : i32
      %dma_wait3A_69 = arith.constant 0 : i32
      %dma_wait3A_70 = tpu.memref_slice %dma_wait3A_67[%dma_wait3A_68, %dma_wait3A_69] : memref<10000x128xbf16, #tpu.memory_space<hbm>> -> memref<10000x128xbf16, #tpu.memory_space<hbm>>
      tpu.wait_indirect_dma semaphore(%arg12 : memref<!tpu.dma_semaphore, #tpu.memory_space<semaphore_mem>>) src(%dma_wait3A_70 : memref<10000x128xbf16, #tpu.memory_space<hbm>>) dst(%arg9 : memref<120x128xbf16, #tpu.memory_space<vmem>>)
      %dma_start3A_71 = arith.constant 0 : i32
      %dma_start3A_72 = tpu.memref_slice %arg8[%mul3A_36, %dma_start3A_71] : memref<84x120xi32, #tpu.memory_space<vmem>> -> memref<1x120xi32, #tpu.memory_space<vmem>>
      %dma_start3A_73 = tpu.memref_squeeze %dma_start3A_72 : memref<1x120xi32, #tpu.memory_space<vmem>> -> memref<120xi32, #tpu.memory_space<vmem>>
      %dma_start3A_74 = arith.constant 0 : i32
      %dma_start3A_75 = arith.constant 0 : i32
      %dma_start3A_76 = tpu.memref_slice %arg11[%dma_start3A_74, %dma_start3A_75] : memref<10008x128xbf16, #tpu.memory_space<vmem_shared>> -> memref<10008x128xbf16, #tpu.memory_space<vmem_shared>>
      tpu.enqueue_indirect_dma source(%arg9 : memref<120x128xbf16, #tpu.memory_space<vmem>>) target(%dma_start3A_76 : memref<10008x128xbf16, #tpu.memory_space<vmem_shared>>) offsets(%dma_start3A_73 : memref<120xi32, #tpu.memory_space<vmem>>) semaphore(%arg14 : memref<!tpu.dma_semaphore, #tpu.memory_space<semaphore_mem>>) {add = true}
      %dma_wait3A_77 = arith.constant 0 : i32
      %dma_wait3A_78 = tpu.memref_slice %arg7[%add3A_50, %dma_wait3A_77] : memref<84x120xi32, #tpu.memory_space<vmem>> -> memref<1x120xi32, #tpu.memory_space<vmem>>
      %dma_wait3A_79 = tpu.memref_squeeze %dma_wait3A_78 : memref<1x120xi32, #tpu.memory_space<vmem>> -> memref<120xi32, #tpu.memory_space<vmem>>
      %dma_wait3A_80 = arith.constant 0 : i32
      %dma_wait3A_81 = arith.constant 0 : i32
      %dma_wait3A_82 = tpu.memref_slice %arg2[%arg0, %dma_wait3A_80, %dma_wait3A_81] : memref<2x10000x128xbf16, #tpu.memory_space<hbm>> -> memref<1x10000x128xbf16, #tpu.memory_space<hbm>>
      %dma_wait3A_83 = tpu.memref_squeeze %dma_wait3A_82 : memref<1x10000x128xbf16, #tpu.memory_space<hbm>> -> memref<10000x128xbf16, #tpu.memory_space<hbm>>
      %dma_wait3A_84 = arith.constant 0 : i32
      %dma_wait3A_85 = arith.constant 0 : i32
      %dma_wait3A_86 = tpu.memref_slice %dma_wait3A_83[%dma_wait3A_84, %dma_wait3A_85] : memref<10000x128xbf16, #tpu.memory_space<hbm>> -> memref<10000x128xbf16, #tpu.memory_space<hbm>>
      tpu.wait_indirect_dma semaphore(%arg13 : memref<!tpu.dma_semaphore, #tpu.memory_space<semaphore_mem>>) src(%dma_wait3A_86 : memref<10000x128xbf16, #tpu.memory_space<hbm>>) dst(%arg10 : memref<120x128xbf16, #tpu.memory_space<vmem>>)
      %add3A_87 = arith.constant 1 : i32
      %add3A_88 = arith.addi %mul3A_36, %add3A_87 : i32
      %dma_start3A_89 = arith.constant 0 : i32
      %dma_start3A_90 = tpu.memref_slice %arg8[%add3A_88, %dma_start3A_89] : memref<84x120xi32, #tpu.memory_space<vmem>> -> memref<1x120xi32, #tpu.memory_space<vmem>>
      %dma_start3A_91 = tpu.memref_squeeze %dma_start3A_90 : memref<1x120xi32, #tpu.memory_space<vmem>> -> memref<120xi32, #tpu.memory_space<vmem>>
      %dma_start3A_92 = arith.constant 0 : i32
      %dma_start3A_93 = arith.constant 0 : i32
      %dma_start3A_94 = tpu.memref_slice %arg11[%dma_start3A_92, %dma_start3A_93] : memref<10008x128xbf16, #tpu.memory_space<vmem_shared>> -> memref<10008x128xbf16, #tpu.memory_space<vmem_shared>>
      tpu.enqueue_indirect_dma source(%arg10 : memref<120x128xbf16, #tpu.memory_space<vmem>>) target(%dma_start3A_94 : memref<10008x128xbf16, #tpu.memory_space<vmem_shared>>) offsets(%dma_start3A_91 : memref<120xi32, #tpu.memory_space<vmem>>) semaphore(%arg15 : memref<!tpu.dma_semaphore, #tpu.memory_space<semaphore_mem>>) {add = true}
    }
    %scan3A_10 = arith.constant 42 : i32
    %dma_wait3A = arith.constant 0 : i32
    %dma_wait3A_11 = arith.constant 0 : i32
    %dma_wait3A_12 = tpu.memref_slice %arg8[%dma_wait3A, %dma_wait3A_11] : memref<84x120xi32, #tpu.memory_space<vmem>> -> memref<1x120xi32, #tpu.memory_space<vmem>>
    %dma_wait3A_13 = tpu.memref_squeeze %dma_wait3A_12 : memref<1x120xi32, #tpu.memory_space<vmem>> -> memref<120xi32, #tpu.memory_space<vmem>>
    %dma_wait3A_14 = arith.constant 0 : i32
    %dma_wait3A_15 = arith.constant 0 : i32
    %dma_wait3A_16 = tpu.memref_slice %arg11[%dma_wait3A_14, %dma_wait3A_15] : memref<10008x128xbf16, #tpu.memory_space<vmem_shared>> -> memref<10008x128xbf16, #tpu.memory_space<vmem_shared>>
    tpu.wait_indirect_dma semaphore(%arg14 : memref<!tpu.dma_semaphore, #tpu.memory_space<semaphore_mem>>) src(%arg9 : memref<120x128xbf16, #tpu.memory_space<vmem>>) dst(%dma_wait3A_16 : memref<10008x128xbf16, #tpu.memory_space<vmem_shared>>)
    %dma_wait3A_17 = arith.constant 0 : i32
    %dma_wait3A_18 = arith.constant 0 : i32
    %dma_wait3A_19 = tpu.memref_slice %arg8[%dma_wait3A_17, %dma_wait3A_18] : memref<84x120xi32, #tpu.memory_space<vmem>> -> memref<1x120xi32, #tpu.memory_space<vmem>>
    %dma_wait3A_20 = tpu.memref_squeeze %dma_wait3A_19 : memref<1x120xi32, #tpu.memory_space<vmem>> -> memref<120xi32, #tpu.memory_space<vmem>>
    %dma_wait3A_21 = arith.constant 0 : i32
    %dma_wait3A_22 = arith.constant 0 : i32
    %dma_wait3A_23 = tpu.memref_slice %arg11[%dma_wait3A_21, %dma_wait3A_22] : memref<10008x128xbf16, #tpu.memory_space<vmem_shared>> -> memref<10008x128xbf16, #tpu.memory_space<vmem_shared>>
    tpu.wait_indirect_dma semaphore(%arg15 : memref<!tpu.dma_semaphore, #tpu.memory_space<semaphore_mem>>) src(%arg10 : memref<120x128xbf16, #tpu.memory_space<vmem>>) dst(%dma_wait3A_23 : memref<10008x128xbf16, #tpu.memory_space<vmem_shared>>)
    %barrier3A_24 = arith.constant 0 : index
    tpu.barrier barrier_id(%barrier3A_24)
    %lt3A_25 = arith.constant 15 : i32
    %lt3A_26 = arith.cmpi slt, %arg1, %lt3A_25 : i32
    %convert_element_type3A_27 = arith.extui %lt3A_26 : i1 to i32
    %cond3A_28 = arith.constant 0 : i32
    %cond3A_29 = arith.cmpi ne, %convert_element_type3A_27, %cond3A_28 : i32
    scf.if %cond3A_29 {
      %mul3A = arith.constant 624 : i32
      %mul3A_35 = arith.muli %arg1, %mul3A : i32
      %mul3A_36 = arith.constant 624 : i32
      %mul3A_37 = arith.muli %arg1, %mul3A_36 : i32
      "tpu.region"() ({
        %run_scoped3A = tpu.sem_alloc : memref<!tpu.dma_semaphore, #tpu.memory_space<semaphore_mem>>
        %dma_start3A = arith.constant 0 : i32
        %dma_start3A_38 = arith.constant 0 : i32
        %dma_start3A_39 = tpu.memref_slice %arg6[%arg0, %dma_start3A, %dma_start3A_38] : memref<2x10000x128xbf16, #tpu.memory_space<hbm>> -> memref<1x10000x128xbf16, #tpu.memory_space<hbm>>
        %dma_start3A_40 = tpu.memref_squeeze %dma_start3A_39 : memref<1x10000x128xbf16, #tpu.memory_space<hbm>> -> memref<10000x128xbf16, #tpu.memory_space<hbm>>
        %dma_start3A_41 = arith.constant 0 : i32
        %dma_start3A_42 = tpu.memref_slice %dma_start3A_40[%mul3A_37, %dma_start3A_41] : memref<10000x128xbf16, #tpu.memory_space<hbm>> -> memref<624x128xbf16, #tpu.memory_space<hbm>>
        %dma_start3A_43 = arith.constant 0 : i32
        %dma_start3A_44 = tpu.memref_slice %arg11[%mul3A_35, %dma_start3A_43] : memref<10008x128xbf16, #tpu.memory_space<vmem_shared>> -> memref<624x128xbf16, #tpu.memory_space<vmem_shared>>
        tpu.enqueue_dma source(%dma_start3A_44 : memref<624x128xbf16, #tpu.memory_space<vmem_shared>>) target(%dma_start3A_42 : memref<624x128xbf16, #tpu.memory_space<hbm>>) target_semaphore(%run_scoped3A : memref<!tpu.dma_semaphore, #tpu.memory_space<semaphore_mem>>)
        %dma_wait3A_45 = arith.constant 0 : i32
        %dma_wait3A_46 = arith.constant 0 : i32
        %dma_wait3A_47 = tpu.memref_slice %arg6[%arg0, %dma_wait3A_45, %dma_wait3A_46] : memref<2x10000x128xbf16, #tpu.memory_space<hbm>> -> memref<1x10000x128xbf16, #tpu.memory_space<hbm>>
        %dma_wait3A_48 = tpu.memref_squeeze %dma_wait3A_47 : memref<1x10000x128xbf16, #tpu.memory_space<hbm>> -> memref<10000x128xbf16, #tpu.memory_space<hbm>>
        %dma_wait3A_49 = arith.constant 0 : i32
        %dma_wait3A_50 = tpu.memref_slice %dma_wait3A_48[%mul3A_37, %dma_wait3A_49] : memref<10000x128xbf16, #tpu.memory_space<hbm>> -> memref<624x128xbf16, #tpu.memory_space<hbm>>
        %dma_wait3A_51 = arith.constant 0 : i32
        %dma_wait3A_52 = tpu.memref_slice %arg11[%mul3A_35, %dma_wait3A_51] : memref<10008x128xbf16, #tpu.memory_space<vmem_shared>> -> memref<624x128xbf16, #tpu.memory_space<vmem_shared>>
        tpu.wait_dma2 semaphore(%run_scoped3A : memref<!tpu.dma_semaphore, #tpu.memory_space<semaphore_mem>>) src(%dma_wait3A_52 : memref<624x128xbf16, #tpu.memory_space<vmem_shared>>) dst(%dma_wait3A_50 : memref<624x128xbf16, #tpu.memory_space<hbm>>)
        tpu.yield
      }) : () -> ()
    } else {
    }
    %eq3A_30 = arith.constant 15 : i32
    %eq3A_31 = arith.cmpi eq, %arg1, %eq3A_30 : i32
    %convert_element_type3A_32 = arith.extui %eq3A_31 : i1 to i32
    %cond3A_33 = arith.constant 0 : i32
    %cond3A_34 = arith.cmpi ne, %convert_element_type3A_32, %cond3A_33 : i32
    scf.if %cond3A_34 {
      "tpu.region"() ({
        %run_scoped3A = tpu.sem_alloc : memref<!tpu.dma_semaphore, #tpu.memory_space<semaphore_mem>>
        %dma_start3A = arith.constant 0 : i32
        %dma_start3A_35 = arith.constant 0 : i32
        %dma_start3A_36 = tpu.memref_slice %arg6[%arg0, %dma_start3A, %dma_start3A_35] : memref<2x10000x128xbf16, #tpu.memory_space<hbm>> -> memref<1x10000x128xbf16, #tpu.memory_space<hbm>>
        %dma_start3A_37 = tpu.memref_squeeze %dma_start3A_36 : memref<1x10000x128xbf16, #tpu.memory_space<hbm>> -> memref<10000x128xbf16, #tpu.memory_space<hbm>>
        %dma_start3A_38 = arith.constant 9360 : i32
        %dma_start3A_39 = arith.constant 0 : i32
        %dma_start3A_40 = tpu.memref_slice %dma_start3A_37[%dma_start3A_38, %dma_start3A_39] : memref<10000x128xbf16, #tpu.memory_space<hbm>> -> memref<640x128xbf16, #tpu.memory_space<hbm>>
        %dma_start3A_41 = arith.constant 9360 : i32
        %dma_start3A_42 = arith.constant 0 : i32
        %dma_start3A_43 = tpu.memref_slice %arg11[%dma_start3A_41, %dma_start3A_42] : memref<10008x128xbf16, #tpu.memory_space<vmem_shared>> -> memref<640x128xbf16, #tpu.memory_space<vmem_shared>>
        tpu.enqueue_dma source(%dma_start3A_43 : memref<640x128xbf16, #tpu.memory_space<vmem_shared>>) target(%dma_start3A_40 : memref<640x128xbf16, #tpu.memory_space<hbm>>) target_semaphore(%run_scoped3A : memref<!tpu.dma_semaphore, #tpu.memory_space<semaphore_mem>>)
        %dma_wait3A_44 = arith.constant 0 : i32
        %dma_wait3A_45 = arith.constant 0 : i32
        %dma_wait3A_46 = tpu.memref_slice %arg6[%arg0, %dma_wait3A_44, %dma_wait3A_45] : memref<2x10000x128xbf16, #tpu.memory_space<hbm>> -> memref<1x10000x128xbf16, #tpu.memory_space<hbm>>
        %dma_wait3A_47 = tpu.memref_squeeze %dma_wait3A_46 : memref<1x10000x128xbf16, #tpu.memory_space<hbm>> -> memref<10000x128xbf16, #tpu.memory_space<hbm>>
        %dma_wait3A_48 = arith.constant 9360 : i32
        %dma_wait3A_49 = arith.constant 0 : i32
        %dma_wait3A_50 = tpu.memref_slice %dma_wait3A_47[%dma_wait3A_48, %dma_wait3A_49] : memref<10000x128xbf16, #tpu.memory_space<hbm>> -> memref<640x128xbf16, #tpu.memory_space<hbm>>
        %dma_wait3A_51 = arith.constant 9360 : i32
        %dma_wait3A_52 = arith.constant 0 : i32
        %dma_wait3A_53 = tpu.memref_slice %arg11[%dma_wait3A_51, %dma_wait3A_52] : memref<10008x128xbf16, #tpu.memory_space<vmem_shared>> -> memref<640x128xbf16, #tpu.memory_space<vmem_shared>>
        tpu.wait_dma2 semaphore(%run_scoped3A : memref<!tpu.dma_semaphore, #tpu.memory_space<semaphore_mem>>) src(%dma_wait3A_53 : memref<640x128xbf16, #tpu.memory_space<vmem_shared>>) dst(%dma_wait3A_50 : memref<640x128xbf16, #tpu.memory_space<hbm>>)
        tpu.yield
      }) : () -> ()
    } else {
    }
    return
  }
}

module attributes {stable_mosaic.version = 14 : i64} {
  func.func @_first_body(%arg0: i32, %arg1: memref<1000x256xf32, #tpu.memory_space<vmem>>, %arg2: memref<256x512xf32, #tpu.memory_space<vmem>>, %arg3: memref<1x256xf32, #tpu.memory_space<vmem>>, %arg4: memref<1000x256xf32, #tpu.memory_space<vmem>>, %arg5: memref<2x1000x128xbf16, #tpu.memory_space<vmem>>) attributes {dimension_semantics = [#tpu.dimension_semantics<arbitrary>], iteration_bounds = array<i64: 10>, scalar_prefetch = 0 : i64, scratch_operands = 0 : i64, tpu.core_type = #tpu.core_type<tc>, window_params = [{transform_indices = @transform_0, window_bounds = array<i64: 1000, 256>}, {pipeline_mode = #tpu.pipeline_mode<synchronous>, transform_indices = @transform_1, window_bounds = array<i64: 256, 512>}, {pipeline_mode = #tpu.pipeline_mode<synchronous>, transform_indices = @transform_2, window_bounds = array<i64: 1, 256>}, {transform_indices = @transform_3, window_bounds = array<i64: 1000, 256>}, {transform_indices = @transform_4, window_bounds = array<i64: 2, 1000, 128>}]} {
    %get3A = arith.constant 0 : index
    %get3A_0 = arith.constant 0 : index
    %get3A_1 = vector.load %arg1[%get3A, %get3A_0] : memref<1000x256xf32, #tpu.memory_space<vmem>>, vector<1000x256xf32>
    %get3A_2 = arith.constant 0 : index
    %get3A_3 = arith.constant 0 : index
    %get3A_4 = vector.load %arg2[%get3A_2, %get3A_3] : memref<256x512xf32, #tpu.memory_space<vmem>>, vector<256x512xf32>
    %dot_general3A = arith.constant dense<0.000000e+00> : vector<1000x512xf32>
    %dot_general3A_5 = tpu.matmul %get3A_1, %get3A_4, %dot_general3A {dimension_numbers = #tpu.dot_dimension_numbers<[1], [0], [0], [1], [0, 0, 1, 1], [], []>, transpose_lhs_hint = false} : vector<1000x256xf32>, vector<256x512xf32>, vector<1000x512xf32> -> vector<1000x512xf32>
    %slice3A = vector.extract_strided_slice %dot_general3A_5 {offsets = [0, 0], sizes = [1000, 256], strides = [1, 1]} : vector<1000x512xf32> to vector<1000x256xf32>
    %get3A_6 = arith.constant 0 : index
    %get3A_7 = arith.constant 0 : index
    %get3A_8 = vector.load %arg3[%get3A_6, %get3A_7] : memref<1x256xf32, #tpu.memory_space<vmem>>, vector<1x256xf32>
    %add3A = vector.broadcast %get3A_8 : vector<1x256xf32> to vector<1000x256xf32>
    %add3A_9 = arith.addf %slice3A, %add3A : vector<1000x256xf32>
    %swap3A = arith.constant 0 : index
    %swap3A_10 = arith.constant 0 : index
    %swap3A_11 = vector.load %arg4[%swap3A, %swap3A_10] : memref<1000x256xf32, #tpu.memory_space<vmem>>, vector<1000x256xf32>
    tpu.vector_store %arg4[%swap3A, %swap3A_10], %add3A_9 {strides = array<i32>} : memref<1000x256xf32, #tpu.memory_space<vmem>>, vector<1000x256xf32>,
    %slice3A_12 = vector.extract_strided_slice %dot_general3A_5 {offsets = [0, 256], sizes = [1000, 128], strides = [1, 1]} : vector<1000x512xf32> to vector<1000x128xf32>
    %slice3A_13 = vector.extract_strided_slice %dot_general3A_5 {offsets = [0, 384], sizes = [1000, 128], strides = [1, 1]} : vector<1000x512xf32> to vector<1000x128xf32>
    %stack3A = vector.shape_cast %slice3A_12 : vector<1000x128xf32> to vector<1x1000x128xf32>
    %stack3A_14 = vector.shape_cast %slice3A_13 : vector<1000x128xf32> to vector<1x1000x128xf32>
    %stack3A_15 = tpu.concatenate %stack3A, %stack3A_14 in 0 : vector<1x1000x128xf32>, vector<1x1000x128xf32> -> vector<2x1000x128xf32>
    %convert_element_type3A = arith.truncf %stack3A_15 : vector<2x1000x128xf32> to vector<2x1000x128xbf16>
    %swap3A_16 = arith.constant 0 : index
    %swap3A_17 = arith.constant 0 : index
    %swap3A_18 = arith.constant 0 : index
    %swap3A_19 = vector.load %arg5[%swap3A_16, %swap3A_17, %swap3A_18] : memref<2x1000x128xbf16, #tpu.memory_space<vmem>>, vector<2x1000x128xbf16>
    tpu.vector_store %arg5[%swap3A_16, %swap3A_17, %swap3A_18], %convert_element_type3A {strides = array<i32>} : memref<2x1000x128xbf16, #tpu.memory_space<vmem>>, vector<2x1000x128xbf16>,
    return
  }
  func.func @transform_0(%arg0: i32) -> (i32, i32) {
    %c0_i32 = arith.constant 0 : i32
    %c0_i32_0 = arith.constant 0 : i32
    return %arg0, %c0_i32 : i32, i32
  }
  func.func @transform_1(%arg0: i32) -> (i32, i32) {
    %c0_i32 = arith.constant 0 : i32
    %c0_i32_0 = arith.constant 0 : i32
    %c0_i32_1 = arith.constant 0 : i32
    return %c0_i32, %c0_i32_0 : i32, i32
  }
  func.func @transform_2(%arg0: i32) -> (i32, i32) {
    %c0_i32 = arith.constant 0 : i32
    %c0_i32_0 = arith.constant 0 : i32
    %c0_i32_1 = arith.constant 0 : i32
    return %c0_i32, %c0_i32_0 : i32, i32
  }
  func.func @transform_3(%arg0: i32) -> (i32, i32) {
    %c0_i32 = arith.constant 0 : i32
    %c0_i32_0 = arith.constant 0 : i32
    return %arg0, %c0_i32 : i32, i32
  }
  func.func @transform_4(%arg0: i32) -> (i32, i32, i32) {
    %c0_i32 = arith.constant 0 : i32
    %c0_i32_0 = arith.constant 0 : i32
    %c0_i32_1 = arith.constant 0 : i32
    return %c0_i32, %arg0, %c0_i32_0 : i32, i32, i32
  }
}

module attributes {stable_mosaic.version = 14 : i64} {
  func.func @_mid_body(%arg0: i32, %arg1: memref<1000x256xf32, #tpu.memory_space<vmem>>, %arg2: memref<2x1000x128xbf16, #tpu.memory_space<vmem>>, %arg3: memref<1000x32xf32, #tpu.memory_space<vmem>>, %arg4: memref<256x512xf32, #tpu.memory_space<vmem>>, %arg5: memref<1x256xf32, #tpu.memory_space<vmem>>, %arg6: memref<1000x256xf32, #tpu.memory_space<vmem>>, %arg7: memref<2x1000x128xbf16, #tpu.memory_space<vmem>>) attributes {dimension_semantics = [#tpu.dimension_semantics<arbitrary>], iteration_bounds = array<i64: 10>, scalar_prefetch = 0 : i64, scratch_operands = 0 : i64, tpu.core_type = #tpu.core_type<tc>, window_params = [{transform_indices = @transform_0, window_bounds = array<i64: 1000, 256>}, {transform_indices = @transform_1, window_bounds = array<i64: 2, 1000, 128>}, {transform_indices = @transform_2, window_bounds = array<i64: 1000, 32>}, {pipeline_mode = #tpu.pipeline_mode<synchronous>, transform_indices = @transform_3, window_bounds = array<i64: 256, 512>}, {pipeline_mode = #tpu.pipeline_mode<synchronous>, transform_indices = @transform_4, window_bounds = array<i64: 1, 256>}, {transform_indices = @transform_5, window_bounds = array<i64: 1000, 256>}, {transform_indices = @transform_6, window_bounds = array<i64: 2, 1000, 128>}]} {
    %get3A = arith.constant 0 : index
    %get3A_0 = arith.constant 0 : index
    %get3A_1 = vector.load %arg3[%get3A, %get3A_0] : memref<1000x32xf32, #tpu.memory_space<vmem>>, vector<1000x1xf32>
    %jit3A = arith.constant 1.000000e+00 : f32
    %max3A = vector.broadcast %jit3A : f32 to vector<1000x1xf32>
    %max3A_2 = arith.maximumf %max3A, %get3A_1 : vector<1000x1xf32>
    %div3A = arith.constant 1.000000e+00 : f32
    %div3A_3 = vector.broadcast %div3A : f32 to vector<1000x1xf32>
    %div3A_4 = arith.divf %div3A_3, %max3A_2 : vector<1000x1xf32>
    %get3A_5 = arith.constant 0 : index
    %get3A_6 = arith.constant 0 : index
    %get3A_7 = arith.constant 0 : index
    %get3A_8 = vector.load %arg2[%get3A_5, %get3A_6, %get3A_7] : memref<2x1000x128xbf16, #tpu.memory_space<vmem>>, vector<1x1000x128xbf16>
    %get3A_9 = vector.shape_cast %get3A_8 : vector<1x1000x128xbf16> to vector<1000x128xbf16>
    %get3A_10 = arith.constant 1 : index
    %get3A_11 = arith.constant 0 : index
    %get3A_12 = arith.constant 0 : index
    %get3A_13 = vector.load %arg2[%get3A_10, %get3A_11, %get3A_12] : memref<2x1000x128xbf16, #tpu.memory_space<vmem>>, vector<1x1000x128xbf16>
    %get3A_14 = vector.shape_cast %get3A_13 : vector<1x1000x128xbf16> to vector<1000x128xbf16>
    %concatenate3A = tpu.concatenate %get3A_9, %get3A_14 in 1 : vector<1000x128xbf16>, vector<1000x128xbf16> -> vector<1000x256xbf16>
    %convert_element_type3A = arith.extf %concatenate3A : vector<1000x256xbf16> to vector<1000x256xf32>
    %get3A_15 = arith.constant 0 : index
    %get3A_16 = arith.constant 0 : index
    %get3A_17 = vector.load %arg1[%get3A_15, %get3A_16] : memref<1000x256xf32, #tpu.memory_space<vmem>>, vector<1000x256xf32>
    %mul3A = vector.broadcast %div3A_4 : vector<1000x1xf32> to vector<1000x256xf32>
    %mul3A_18 = arith.mulf %convert_element_type3A, %mul3A : vector<1000x256xf32>
    %add3A = arith.addf %get3A_17, %mul3A_18 : vector<1000x256xf32>
    %max3A_19 = arith.constant 0.000000e+00 : f32
    %max3A_20 = vector.broadcast %max3A_19 : f32 to vector<1000x256xf32>
    %max3A_21 = arith.maximumf %add3A, %max3A_20 : vector<1000x256xf32>
    %get3A_22 = arith.constant 0 : index
    %get3A_23 = arith.constant 0 : index
    %get3A_24 = vector.load %arg4[%get3A_22, %get3A_23] : memref<256x512xf32, #tpu.memory_space<vmem>>, vector<256x512xf32>
    %dot_general3A = arith.constant dense<0.000000e+00> : vector<1000x512xf32>
    %dot_general3A_25 = tpu.matmul %max3A_21, %get3A_24, %dot_general3A {dimension_numbers = #tpu.dot_dimension_numbers<[1], [0], [0], [1], [0, 0, 1, 1], [], []>, transpose_lhs_hint = false} : vector<1000x256xf32>, vector<256x512xf32>, vector<1000x512xf32> -> vector<1000x512xf32>
    %slice3A = vector.extract_strided_slice %dot_general3A_25 {offsets = [0, 0], sizes = [1000, 256], strides = [1, 1]} : vector<1000x512xf32> to vector<1000x256xf32>
    %get3A_26 = arith.constant 0 : index
    %get3A_27 = arith.constant 0 : index
    %get3A_28 = vector.load %arg5[%get3A_26, %get3A_27] : memref<1x256xf32, #tpu.memory_space<vmem>>, vector<1x256xf32>
    %add3A_29 = vector.broadcast %get3A_28 : vector<1x256xf32> to vector<1000x256xf32>
    %add3A_30 = arith.addf %slice3A, %add3A_29 : vector<1000x256xf32>
    %swap3A = arith.constant 0 : index
    %swap3A_31 = arith.constant 0 : index
    %swap3A_32 = vector.load %arg6[%swap3A, %swap3A_31] : memref<1000x256xf32, #tpu.memory_space<vmem>>, vector<1000x256xf32>
    tpu.vector_store %arg6[%swap3A, %swap3A_31], %add3A_30 {strides = array<i32>} : memref<1000x256xf32, #tpu.memory_space<vmem>>, vector<1000x256xf32>,
    %slice3A_33 = vector.extract_strided_slice %dot_general3A_25 {offsets = [0, 256], sizes = [1000, 128], strides = [1, 1]} : vector<1000x512xf32> to vector<1000x128xf32>
    %slice3A_34 = vector.extract_strided_slice %dot_general3A_25 {offsets = [0, 384], sizes = [1000, 128], strides = [1, 1]} : vector<1000x512xf32> to vector<1000x128xf32>
    %stack3A = vector.shape_cast %slice3A_33 : vector<1000x128xf32> to vector<1x1000x128xf32>
    %stack3A_35 = vector.shape_cast %slice3A_34 : vector<1000x128xf32> to vector<1x1000x128xf32>
    %stack3A_36 = tpu.concatenate %stack3A, %stack3A_35 in 0 : vector<1x1000x128xf32>, vector<1x1000x128xf32> -> vector<2x1000x128xf32>
    %convert_element_type3A_37 = arith.truncf %stack3A_36 : vector<2x1000x128xf32> to vector<2x1000x128xbf16>
    %swap3A_38 = arith.constant 0 : index
    %swap3A_39 = arith.constant 0 : index
    %swap3A_40 = arith.constant 0 : index
    %swap3A_41 = vector.load %arg7[%swap3A_38, %swap3A_39, %swap3A_40] : memref<2x1000x128xbf16, #tpu.memory_space<vmem>>, vector<2x1000x128xbf16>
    tpu.vector_store %arg7[%swap3A_38, %swap3A_39, %swap3A_40], %convert_element_type3A_37 {strides = array<i32>} : memref<2x1000x128xbf16, #tpu.memory_space<vmem>>, vector<2x1000x128xbf16>,
    return
  }
  func.func @transform_0(%arg0: i32) -> (i32, i32) {
    %c0_i32 = arith.constant 0 : i32
    %c0_i32_0 = arith.constant 0 : i32
    return %arg0, %c0_i32 : i32, i32
  }
  func.func @transform_1(%arg0: i32) -> (i32, i32, i32) {
    %c0_i32 = arith.constant 0 : i32
    %c0_i32_0 = arith.constant 0 : i32
    %c0_i32_1 = arith.constant 0 : i32
    return %c0_i32, %arg0, %c0_i32_0 : i32, i32, i32
  }
  func.func @transform_2(%arg0: i32) -> (i32, i32) {
    %c0_i32 = arith.constant 0 : i32
    %c0_i32_0 = arith.constant 0 : i32
    return %arg0, %c0_i32 : i32, i32
  }
  func.func @transform_3(%arg0: i32) -> (i32, i32) {
    %c0_i32 = arith.constant 0 : i32
    %c0_i32_0 = arith.constant 0 : i32
    %c0_i32_1 = arith.constant 0 : i32
    return %c0_i32, %c0_i32_0 : i32, i32
  }
  func.func @transform_4(%arg0: i32) -> (i32, i32) {
    %c0_i32 = arith.constant 0 : i32
    %c0_i32_0 = arith.constant 0 : i32
    %c0_i32_1 = arith.constant 0 : i32
    return %c0_i32, %c0_i32_0 : i32, i32
  }
  func.func @transform_5(%arg0: i32) -> (i32, i32) {
    %c0_i32 = arith.constant 0 : i32
    %c0_i32_0 = arith.constant 0 : i32
    return %arg0, %c0_i32 : i32, i32
  }
  func.func @transform_6(%arg0: i32) -> (i32, i32, i32) {
    %c0_i32 = arith.constant 0 : i32
    %c0_i32_0 = arith.constant 0 : i32
    %c0_i32_1 = arith.constant 0 : i32
    return %c0_i32, %arg0, %c0_i32_0 : i32, i32, i32
  }
}

module attributes {stable_mosaic.version = 14 : i64} {
  func.func @_mid_body(%arg0: i32, %arg1: memref<1000x256xf32, #tpu.memory_space<vmem>>, %arg2: memref<2x1000x128xbf16, #tpu.memory_space<vmem>>, %arg3: memref<1000x32xf32, #tpu.memory_space<vmem>>, %arg4: memref<256x128xf32, #tpu.memory_space<vmem>>, %arg5: memref<1x64xf32, #tpu.memory_space<vmem>>, %arg6: memref<1000x64xf32, #tpu.memory_space<vmem>>, %arg7: memref<2x1000x32xbf16, #tpu.memory_space<vmem>>) attributes {dimension_semantics = [#tpu.dimension_semantics<arbitrary>], iteration_bounds = array<i64: 10>, scalar_prefetch = 0 : i64, scratch_operands = 0 : i64, tpu.core_type = #tpu.core_type<tc>, window_params = [{transform_indices = @transform_0, window_bounds = array<i64: 1000, 256>}, {transform_indices = @transform_1, window_bounds = array<i64: 2, 1000, 128>}, {transform_indices = @transform_2, window_bounds = array<i64: 1000, 32>}, {pipeline_mode = #tpu.pipeline_mode<synchronous>, transform_indices = @transform_3, window_bounds = array<i64: 256, 128>}, {pipeline_mode = #tpu.pipeline_mode<synchronous>, transform_indices = @transform_4, window_bounds = array<i64: 1, 64>}, {transform_indices = @transform_5, window_bounds = array<i64: 1000, 64>}, {transform_indices = @transform_6, window_bounds = array<i64: 2, 1000, 32>}]} {
    %get3A = arith.constant 0 : index
    %get3A_0 = arith.constant 0 : index
    %get3A_1 = vector.load %arg3[%get3A, %get3A_0] : memref<1000x32xf32, #tpu.memory_space<vmem>>, vector<1000x1xf32>
    %jit3A = arith.constant 1.000000e+00 : f32
    %max3A = vector.broadcast %jit3A : f32 to vector<1000x1xf32>
    %max3A_2 = arith.maximumf %max3A, %get3A_1 : vector<1000x1xf32>
    %div3A = arith.constant 1.000000e+00 : f32
    %div3A_3 = vector.broadcast %div3A : f32 to vector<1000x1xf32>
    %div3A_4 = arith.divf %div3A_3, %max3A_2 : vector<1000x1xf32>
    %get3A_5 = arith.constant 0 : index
    %get3A_6 = arith.constant 0 : index
    %get3A_7 = arith.constant 0 : index
    %get3A_8 = vector.load %arg2[%get3A_5, %get3A_6, %get3A_7] : memref<2x1000x128xbf16, #tpu.memory_space<vmem>>, vector<1x1000x128xbf16>
    %get3A_9 = vector.shape_cast %get3A_8 : vector<1x1000x128xbf16> to vector<1000x128xbf16>
    %get3A_10 = arith.constant 1 : index
    %get3A_11 = arith.constant 0 : index
    %get3A_12 = arith.constant 0 : index
    %get3A_13 = vector.load %arg2[%get3A_10, %get3A_11, %get3A_12] : memref<2x1000x128xbf16, #tpu.memory_space<vmem>>, vector<1x1000x128xbf16>
    %get3A_14 = vector.shape_cast %get3A_13 : vector<1x1000x128xbf16> to vector<1000x128xbf16>
    %concatenate3A = tpu.concatenate %get3A_9, %get3A_14 in 1 : vector<1000x128xbf16>, vector<1000x128xbf16> -> vector<1000x256xbf16>
    %convert_element_type3A = arith.extf %concatenate3A : vector<1000x256xbf16> to vector<1000x256xf32>
    %get3A_15 = arith.constant 0 : index
    %get3A_16 = arith.constant 0 : index
    %get3A_17 = vector.load %arg1[%get3A_15, %get3A_16] : memref<1000x256xf32, #tpu.memory_space<vmem>>, vector<1000x256xf32>
    %mul3A = vector.broadcast %div3A_4 : vector<1000x1xf32> to vector<1000x256xf32>
    %mul3A_18 = arith.mulf %convert_element_type3A, %mul3A : vector<1000x256xf32>
    %add3A = arith.addf %get3A_17, %mul3A_18 : vector<1000x256xf32>
    %max3A_19 = arith.constant 0.000000e+00 : f32
    %max3A_20 = vector.broadcast %max3A_19 : f32 to vector<1000x256xf32>
    %max3A_21 = arith.maximumf %add3A, %max3A_20 : vector<1000x256xf32>
    %get3A_22 = arith.constant 0 : index
    %get3A_23 = arith.constant 0 : index
    %get3A_24 = vector.load %arg4[%get3A_22, %get3A_23] : memref<256x128xf32, #tpu.memory_space<vmem>>, vector<256x128xf32>
    %dot_general3A = arith.constant dense<0.000000e+00> : vector<1000x128xf32>
    %dot_general3A_25 = tpu.matmul %max3A_21, %get3A_24, %dot_general3A {dimension_numbers = #tpu.dot_dimension_numbers<[1], [0], [0], [1], [0, 0, 1, 1], [], []>, transpose_lhs_hint = false} : vector<1000x256xf32>, vector<256x128xf32>, vector<1000x128xf32> -> vector<1000x128xf32>
    %slice3A = vector.extract_strided_slice %dot_general3A_25 {offsets = [0, 0], sizes = [1000, 64], strides = [1, 1]} : vector<1000x128xf32> to vector<1000x64xf32>
    %get3A_26 = arith.constant 0 : index
    %get3A_27 = arith.constant 0 : index
    %get3A_28 = vector.load %arg5[%get3A_26, %get3A_27] : memref<1x64xf32, #tpu.memory_space<vmem>>, vector<1x64xf32>
    %add3A_29 = vector.broadcast %get3A_28 : vector<1x64xf32> to vector<1000x64xf32>
    %add3A_30 = arith.addf %slice3A, %add3A_29 : vector<1000x64xf32>
    %swap3A = arith.constant 0 : index
    %swap3A_31 = arith.constant 0 : index
    %swap3A_32 = vector.load %arg6[%swap3A, %swap3A_31] : memref<1000x64xf32, #tpu.memory_space<vmem>>, vector<1000x64xf32>
    tpu.vector_store %arg6[%swap3A, %swap3A_31], %add3A_30 {strides = array<i32>} : memref<1000x64xf32, #tpu.memory_space<vmem>>, vector<1000x64xf32>,
    %slice3A_33 = vector.extract_strided_slice %dot_general3A_25 {offsets = [0, 64], sizes = [1000, 32], strides = [1, 1]} : vector<1000x128xf32> to vector<1000x32xf32>
    %slice3A_34 = vector.extract_strided_slice %dot_general3A_25 {offsets = [0, 96], sizes = [1000, 32], strides = [1, 1]} : vector<1000x128xf32> to vector<1000x32xf32>
    %stack3A = vector.shape_cast %slice3A_33 : vector<1000x32xf32> to vector<1x1000x32xf32>
    %stack3A_35 = vector.shape_cast %slice3A_34 : vector<1000x32xf32> to vector<1x1000x32xf32>
    %stack3A_36 = tpu.concatenate %stack3A, %stack3A_35 in 0 : vector<1x1000x32xf32>, vector<1x1000x32xf32> -> vector<2x1000x32xf32>
    %convert_element_type3A_37 = arith.truncf %stack3A_36 : vector<2x1000x32xf32> to vector<2x1000x32xbf16>
    %swap3A_38 = arith.constant 0 : index
    %swap3A_39 = arith.constant 0 : index
    %swap3A_40 = arith.constant 0 : index
    %swap3A_41 = vector.load %arg7[%swap3A_38, %swap3A_39, %swap3A_40] : memref<2x1000x32xbf16, #tpu.memory_space<vmem>>, vector<2x1000x32xbf16>
    tpu.vector_store %arg7[%swap3A_38, %swap3A_39, %swap3A_40], %convert_element_type3A_37 {strides = array<i32>} : memref<2x1000x32xbf16, #tpu.memory_space<vmem>>, vector<2x1000x32xbf16>,
    return
  }
  func.func @transform_0(%arg0: i32) -> (i32, i32) {
    %c0_i32 = arith.constant 0 : i32
    %c0_i32_0 = arith.constant 0 : i32
    return %arg0, %c0_i32 : i32, i32
  }
  func.func @transform_1(%arg0: i32) -> (i32, i32, i32) {
    %c0_i32 = arith.constant 0 : i32
    %c0_i32_0 = arith.constant 0 : i32
    %c0_i32_1 = arith.constant 0 : i32
    return %c0_i32, %arg0, %c0_i32_0 : i32, i32, i32
  }
  func.func @transform_2(%arg0: i32) -> (i32, i32) {
    %c0_i32 = arith.constant 0 : i32
    %c0_i32_0 = arith.constant 0 : i32
    return %arg0, %c0_i32 : i32, i32
  }
  func.func @transform_3(%arg0: i32) -> (i32, i32) {
    %c0_i32 = arith.constant 0 : i32
    %c0_i32_0 = arith.constant 0 : i32
    %c0_i32_1 = arith.constant 0 : i32
    return %c0_i32, %c0_i32_0 : i32, i32
  }
  func.func @transform_4(%arg0: i32) -> (i32, i32) {
    %c0_i32 = arith.constant 0 : i32
    %c0_i32_0 = arith.constant 0 : i32
    %c0_i32_1 = arith.constant 0 : i32
    return %c0_i32, %c0_i32_0 : i32, i32
  }
  func.func @transform_5(%arg0: i32) -> (i32, i32) {
    %c0_i32 = arith.constant 0 : i32
    %c0_i32_0 = arith.constant 0 : i32
    return %arg0, %c0_i32 : i32, i32
  }
  func.func @transform_6(%arg0: i32) -> (i32, i32, i32) {
    %c0_i32 = arith.constant 0 : i32
    %c0_i32_0 = arith.constant 0 : i32
    %c0_i32_1 = arith.constant 0 : i32
    return %c0_i32, %arg0, %c0_i32_0 : i32, i32, i32
  }
}

module attributes {stable_mosaic.version = 14 : i64} {
  func.func @_out_body(%arg0: i32, %arg1: memref<1000x64xf32, #tpu.memory_space<vmem>>, %arg2: memref<2x1000x32xbf16, #tpu.memory_space<vmem>>, %arg3: memref<1000x32xf32, #tpu.memory_space<vmem>>, %arg4: memref<1000x64xf32, #tpu.memory_space<vmem>>) attributes {dimension_semantics = [#tpu.dimension_semantics<arbitrary>], iteration_bounds = array<i64: 10>, scalar_prefetch = 0 : i64, scratch_operands = 0 : i64, tpu.core_type = #tpu.core_type<tc>, window_params = [{transform_indices = @transform_0, window_bounds = array<i64: 1000, 64>}, {transform_indices = @transform_1, window_bounds = array<i64: 2, 1000, 32>}, {transform_indices = @transform_2, window_bounds = array<i64: 1000, 32>}, {transform_indices = @transform_3, window_bounds = array<i64: 1000, 64>}]} {
    %get3A = arith.constant 0 : index
    %get3A_0 = arith.constant 0 : index
    %get3A_1 = vector.load %arg3[%get3A, %get3A_0] : memref<1000x32xf32, #tpu.memory_space<vmem>>, vector<1000x1xf32>
    %jit3A = arith.constant 1.000000e+00 : f32
    %max3A = vector.broadcast %jit3A : f32 to vector<1000x1xf32>
    %max3A_2 = arith.maximumf %max3A, %get3A_1 : vector<1000x1xf32>
    %div3A = arith.constant 1.000000e+00 : f32
    %div3A_3 = vector.broadcast %div3A : f32 to vector<1000x1xf32>
    %div3A_4 = arith.divf %div3A_3, %max3A_2 : vector<1000x1xf32>
    %get3A_5 = arith.constant 0 : index
    %get3A_6 = arith.constant 0 : index
    %get3A_7 = arith.constant 0 : index
    %get3A_8 = vector.load %arg2[%get3A_5, %get3A_6, %get3A_7] : memref<2x1000x32xbf16, #tpu.memory_space<vmem>>, vector<1x1000x32xbf16>
    %get3A_9 = vector.shape_cast %get3A_8 : vector<1x1000x32xbf16> to vector<1000x32xbf16>
    %get3A_10 = arith.constant 1 : index
    %get3A_11 = arith.constant 0 : index
    %get3A_12 = arith.constant 0 : index
    %get3A_13 = vector.load %arg2[%get3A_10, %get3A_11, %get3A_12] : memref<2x1000x32xbf16, #tpu.memory_space<vmem>>, vector<1x1000x32xbf16>
    %get3A_14 = vector.shape_cast %get3A_13 : vector<1x1000x32xbf16> to vector<1000x32xbf16>
    %concatenate3A = tpu.concatenate %get3A_9, %get3A_14 in 1 : vector<1000x32xbf16>, vector<1000x32xbf16> -> vector<1000x64xbf16>
    %convert_element_type3A = arith.extf %concatenate3A : vector<1000x64xbf16> to vector<1000x64xf32>
    %get3A_15 = arith.constant 0 : index
    %get3A_16 = arith.constant 0 : index
    %get3A_17 = vector.load %arg1[%get3A_15, %get3A_16] : memref<1000x64xf32, #tpu.memory_space<vmem>>, vector<1000x64xf32>
    %mul3A = vector.broadcast %div3A_4 : vector<1000x1xf32> to vector<1000x64xf32>
    %mul3A_18 = arith.mulf %convert_element_type3A, %mul3A : vector<1000x64xf32>
    %add3A = arith.addf %get3A_17, %mul3A_18 : vector<1000x64xf32>
    %swap3A = arith.constant 0 : index
    %swap3A_19 = arith.constant 0 : index
    %swap3A_20 = vector.load %arg4[%swap3A, %swap3A_19] : memref<1000x64xf32, #tpu.memory_space<vmem>>, vector<1000x64xf32>
    tpu.vector_store %arg4[%swap3A, %swap3A_19], %add3A {strides = array<i32>} : memref<1000x64xf32, #tpu.memory_space<vmem>>, vector<1000x64xf32>,
    return
  }
  func.func @transform_0(%arg0: i32) -> (i32, i32) {
    %c0_i32 = arith.constant 0 : i32
    %c0_i32_0 = arith.constant 0 : i32
    return %arg0, %c0_i32 : i32, i32
  }
  func.func @transform_1(%arg0: i32) -> (i32, i32, i32) {
    %c0_i32 = arith.constant 0 : i32
    %c0_i32_0 = arith.constant 0 : i32
    %c0_i32_1 = arith.constant 0 : i32
    return %c0_i32, %arg0, %c0_i32_0 : i32, i32, i32
  }
  func.func @transform_2(%arg0: i32) -> (i32, i32) {
    %c0_i32 = arith.constant 0 : i32
    %c0_i32_0 = arith.constant 0 : i32
    return %arg0, %c0_i32 : i32, i32
  }
  func.func @transform_3(%arg0: i32) -> (i32, i32) {
    %c0_i32 = arith.constant 0 : i32
    %c0_i32_0 = arith.constant 0 : i32
    return %arg0, %c0_i32 : i32, i32
  }
}

</mosaic_0001>

<sc_bundles>
// kernel: kernel.12.cloned.1.call-start
scs
__scs_entry_jumppad:
0x0: {  	(pc) =	sbr.rel $0x88, $3  }
0x1: {  	(tag) =	ssettag $0x0;
	lr =	simm.s32 $0x1  }
0x2: {  	[smem:$0x3F96] =	sst lr;
	_ =	strace $0xD0000000  }
0x3: {  	_ = 	snop  }
0x4: {  	_ = 	snop  }
0x5: {  	_ = 	snop  }
0x6: {  	_ = 	snop  }
0x7: {  	_ = 	snop  }
__scs_overlays_trampoline_lowered:
0x8: {  	[smem:$0x3FA5] =	sst s0  }
0x9: {  	[smem:$0x3FA6] =	sst s1  }
0xa: {  	[smem:$0x3FA7] =	sst s2  }
0xb: {  	[smem:$0x3FA8] =	sst s3  }
0xc: {  	[smem:$0x3FA9] =	sst s4  }
0xd: {  	[smem:$0x3FAA] =	sst s5  }
0xe: {  	[smem:$0x3FAB] =	sst s6  }
0xf: {  	[smem:$0x3FAC] =	sst s7  }
0x10: {  	[smem:$0x3FAD] =	sst s8  }
0x11: {  	[smem:$0x3FAE] =	sst s9;
	s0 =	simm.s32 @!p0 $0x0  }
0x12: {  	s1 =	sld [smem:$0x3F94];
	s0 =	simm.s32 @p0 $0x1  }
0x13: {  	[smem:$0x3FAF] =	sst s0;
	s0 =	simm.s32 @!p1 $0x0  }
0x14: {  	s2 =	sld [smem:$0x3F93];
	s0 =	simm.s32 @p1 $0x1  }
0x15: {  	[smem:$0x3FB0] =	sst s0;
	s0 =	simm.s32 @!p2 $0x0  }
0x16: {  	s3 =	sld [smem:$0x3FDB];
	s0 =	simm.s32 @p2 $0x1  }
0x17: {  	s4 =	simm.s32 $0x1BF5;
	[smem:$0x3FB2] =	sst s0  }
0x18: {  	s0 =	sld [smem:$0x3F95];
	_ =	swait.ge [sflag:s4], $0x0  }
0x19: {  	s7 =	sld [smem:$0x3F96]  }
0x1a: {  	s8 =	sadd.s32 $0xFFFFE003, lr  }
0x1b: {  	s9 =	sadd.s32 $0xFFFFFEF7, lr;
	s5 =	simm.s32 $0xFFFFFFFF;
	p2 =	slt.u32 s8, $0xFFFFF086  }
0x1c: {  	p1 =	slt.u32 s9, $0xF7A;
	s5 =	simm.s32 @!p2 $0x0  }
0x1d: {  	s5 =	simm.s32 @p1 $0x1;
	p0 =	seq.s32 s7, s2  }
0x1e: {  	s7 =	smul.u32 @!p0 $0xF7A, s2;
	p2 =	seq.s32 @!p0 s5, $0x0  }
0x1f: {  	s9 =	smul.u32 $0xF7A, s1;
	s8 =	simm.s32 @!p0 $0x1BF5;
	p2 =	por !p2, p0  }
0x20: {  	[sflag:s8] =	ssyncset.s32 @!p0 $0xFFFFF086;
	s6 =	sadd.s32 @!p0 s3, s7;
	s7 =	simm.s32 @!p0 $0x108  }
0x21: {  	s3 =	sadd.s32 s3, s9;
	s6 =	sadd.s32 @!p0 $0x88, s6;
	s7 =	simm.s32 @p2 $0x1082  }
0x22: {  	[simem:s7], [sflag:s8] =	dma.local @!p0 [hbm:s6], $0xF7A  }
0x23: {  	s9 =	sor.u32 $0xD0000000, s2;
	s6 =	simm.s32 $0x108;
	_ =	swait.ge @!p0 [sflag:s8], $0x0  }
0x24: {  	s3 =	sadd.s32 $0x88, s3;
	s6 =	simm.s32 @!p1 $0x1082;
	[sflag:s4] =	ssyncset.s32 $0xFFFFF086  }
0x25: {  	[simem:s6], [sflag:s4] =	dma.local [hbm:s3], $0xF7A  }
0x26: {  	[smem:$0x3F96] =	sst s1;
	(tag) =	ssettag s2;
	_ =	strace s9  }
0x27: {  	s1 =	sld [smem:$0x3FA6]  }
0x28: {  	s2 =	sld [smem:$0x3FA7]  }
0x29: {  	s4 =	sld [smem:$0x3FA9]  }
0x2a: {  	p0 =	seq.s32 s5, $0x0;
	s5 =	sld [smem:$0x3FAA]  }
0x2b: {  	s6 =	sld [smem:$0x3FAB]  }
0x2c: {  	s7 =	sld [smem:$0x3FAC]  }
0x2d: {  	s3 =	simm.s32 $0x108;
	s8 =	sld [smem:$0x3FAD]  }
0x2e: {  	s3 =	simm.s32 @!p0 $0x1082;
	s9 =	sld [smem:$0x3FAE]  }
0x2f: {  	lr =	sadd.s32 s0, s3;
	s0 =	sld [smem:$0x3FA5]  }
0x30: {  	s3 =	sld [smem:$0x3FA8]  }
0x31: {  	[smem:$0x3FB1] =	sst s10  }
0x32: {  	s10 =	sld [smem:$0x3FAF];
	_ =	sdelay $0x3  }
0x33: {  	p0 =	seq.s32 s10, $0x1;
	s10 =	sld [smem:$0x3FB1];
	_ =	sdelay $0x3  }
0x34: {  	[smem:$0x3FB1] =	sst s10  }
0x35: {  	s10 =	sld [smem:$0x3FB0];
	_ =	sdelay $0x3  }
0x36: {  	p1 =	seq.s32 s10, $0x1;
	s10 =	sld [smem:$0x3FB1];
	_ =	sdelay $0x3  }
0x37: {  	[smem:$0x3FB1] =	sst s10  }
0x38: {  	s10 =	sld [smem:$0x3FB2]  }
0x39: {  	_ = 	snop;
	(pc) =	sbr.ind lr, $3  }
0x3a: {  	_ = 	snop  }
0x3b: {  	_ = 	snop  }
0x3c: {  	p2 =	seq.s32 s10, $0x1;
	s10 =	sld [smem:$0x3FB1]  }
0x3d: {  	_ =	shalt  }
0x3e: {  	_ =	shalt  }
0x3f: {  	_ =	shalt  }
0x40: {  	_ =	shalt  }
0x41: {  	_ =	shalt  }
0x42: {  	_ =	shalt  }
0x43: {  	_ =	shalt  }
0x44: {  	_ =	shalt  }
0x45: {  	_ =	shalt  }
0x46: {  	_ =	shalt  }
0x47: {  	_ =	shalt  }
0x48: {  	_ =	shalt  }
0x49: {  	_ =	shalt  }
0x4a: {  	_ =	shalt  }
0x4b: {  	_ =	shalt  }
0x4c: {  	_ =	shalt  }
0x4d: {  	_ =	shalt  }
0x4e: {  	_ =	shalt  }
0x4f: {  	_ =	shalt  }
0x50: {  	_ =	shalt  }
0x51: {  	_ =	shalt  }
0x52: {  	_ =	shalt  }
0x53: {  	_ =	shalt  }
0x54: {  	_ =	shalt  }
0x55: {  	_ =	shalt  }
0x56: {  	_ =	shalt  }
0x57: {  	_ =	shalt  }
0x58: {  	_ =	shalt  }
0x59: {  	_ =	shalt  }
0x5a: {  	_ =	shalt  }
0x5b: {  	_ =	shalt  }
0x5c: {  	_ =	shalt  }
0x5d: {  	_ =	shalt  }
0x5e: {  	_ =	shalt  }
0x5f: {  	_ =	shalt  }
0x60: {  	_ =	shalt  }
0x61: {  	_ =	shalt  }
0x62: {  	_ =	shalt  }
0x63: {  	_ =	shalt  }
0x64: {  	_ =	shalt  }
0x65: {  	_ =	shalt  }
0x66: {  	_ =	shalt  }
0x67: {  	_ =	shalt  }
0x68: {  	_ =	shalt  }
0x69: {  	_ =	shalt  }
0x6a: {  	_ =	shalt  }
0x6b: {  	_ =	shalt  }
0x6c: {  	_ =	shalt  }
0x6d: {  	_ =	shalt  }
0x6e: {  	_ =	shalt  }
0x6f: {  	_ =	shalt  }
0x70: {  	_ =	shalt  }
0x71: {  	_ =	shalt  }
0x72: {  	_ =	shalt  }
0x73: {  	_ =	shalt  }
0x74: {  	_ =	shalt  }
0x75: {  	_ =	shalt  }
0x76: {  	_ =	shalt  }
0x77: {  	_ =	shalt  }
0x78: {  	_ =	shalt  }
0x79: {  	_ =	shalt  }
0x7a: {  	_ =	shalt  }
0x7b: {  	_ =	shalt  }
0x7c: {  	_ =	shalt  }
0x7d: {  	_ =	shalt  }
0x7e: {  	_ =	shalt  }
0x7f: {  	_ =	shalt  }
0x80: {  	_ =	shalt  }
0x81: {  	_ =	shalt  }
0x82: {  	_ =	shalt  }
0x83: {  	_ =	shalt  }
0x84: {  	_ =	shalt  }
0x85: {  	_ =	shalt  }
0x86: {  	_ =	shalt  }
0x87: {  	_ =	shalt  }
.Lfunc_end0:
.L_simem_size_0:
called_computation.1_lowered:
.L_overlay_start_0:
0x88: {  	s2 =	sld [smem:$0x3FD9]  }
0x89: {  	s3 =	sld [smem:$0x3FFE];
	_ =	sdelay $0x1  }
0x8a: {  	s1 =	srdreg.scid  }
0x8b: {  	s0 =	sand.u32 $0x1, s1  }
0x8c: {  	s16 =	sshll.u32 s0, $0xA;
	s2 =	sadd.s32 s3, s2  }
0x8d: {  	s2 =	sadd.s32 s2, s16  }
0x8e: {  	[smem:$0x3FBD] =	sst s2  }
0x8f: {  	_ = 	snop  }
0x90: {  	(tm) =	ssettm $0x1  }
0x91: {  	s17 =	sld [smem:$0x3FFB];
	_ =	sdelay $0x3  }
0x92: {  	_ =	strace s17  }
0x93: {  	s2 =	sld [smem:$0x3FFC];
	_ =	sdelay $0x3  }
0x94: {  	_ =	strace s2  }
0x95: {  	s2 =	sld [smem:$0x3FFD];
	_ =	sdelay $0x3  }
0x96: {  	_ =	strace s2  }
0x97: {  	_ =	strace $0x8FFFFFFF  }
0x98: {  	s18 =	sld [smem:$0x3FDB];
	_ =	sdelay $0x1  }
0x99: {  	s19 =	simm.s32 $_scs_section_size  }
0x9a: {  	s4 =	simm.s32 $_size__tile_overlayer_lowered;
	s5 =	simm.s32 $_tile_overlayer_lowered  }
0x9b: {  	s22 =	simm.s32 $0x1BFF;
	s21 =	sshll.u32 s5, $0x1;
	s2 =	sadd.s32 s19, s18  }
0x9c: {  	s6 =	simm.s32 $0x0;
	s20 =	sshll.u32 s4, $0x1;
	s4 =	sadd.s32 s21, s2  }
0x9d: {  	[timem:s6], [sflag:s22] =	dma.local [hbm:s4], s20  }
0x9e: {  	_ =	swait.ge [sflag:s22], s20  }
0x9f: {  	s3 =	ssub.s32 $0x0, s20;
	[sflag:s22] =	ssyncset.done $0x0  }
0xa0: {  	[sflag:s22] =	ssyncadd.s32 s3;
	_ =	sdelay $0x1  }
0xa1: {  	s23 =	simm.s32 $0x1B8B  }
0xa2: {  	_ =	swait.ge [sflag:s23], $0x1  }
0xa3: {  	[sflag:s23] =	ssyncset.done $0x0  }
0xa4: {  	s25 =	simm.s32 $0x1B8E;
	s24 =	sld [smem:$0x3FFE];
	[sflag:s23] =	ssyncadd.s32 $0xFFFFFFFF  }
0xa5: {  	s26 =	simm.s32 $execute0_lowered;
	[smem:$0x3FD2] =	sst s25  }
0xa6: {  	s4 =	sshll.u32 s26, $0x1;
	_ =	strace $0x80000049;
	[dreg:$0x1] =	wrdreg $0xFFFFFFFF  }
0xa7: {  	s28 =	simm.s32 $_size_execute0_lowered;
	s2 =	sadd.s32 s2, s4;
	[dreg:$0x0] =	wrdreg $0x0  }
0xa8: {  	s4 =	sshll.u32 s28, $0x1;
	[dreg:$0x2] =	wrdreg s2  }
0xa9: {  	[dreg:$0x3] =	wrdreg s4  }
0xaa: {  	[dreg:$0x4] =	wrdreg $0xC0  }
0xab: {  	_ =	task [dreg:s6], $0x5FFFF  }
0xac: {  	[dreg:$0x1] =	wrdreg $0xFFFFFFFF  }
0xad: {  	[dreg:$0x0] =	wrdreg $0x60  }
0xae: {  	[dreg:$0x2] =	wrdreg s24  }
0xaf: {  	[dreg:$0x3] =	wrdreg $0x8AC00  }
0xb0: {  	[dreg:$0x4] =	wrdreg $0x9  }
0xb1: {  	_ =	task.clear_ibuf [dreg:s6], $0x5FFFF;
	_ =	strace $0x90000049  }
0xb2: {  	s29 =	simm.s32 $0x9;
	_ =	strace $0x8000004B  }
0xb3: {  	_ =	swait.ge [sflag:s29], $0x1  }
0xb4: {  	[sflag:s29] =	ssyncadd.s32 $0xFFFFFFFF  }
0xb5: {  	_ =	strace $0x9000004B  }
0xb6: {  	_ =	sfence  }
0xb7: {  	s30 =	sld [smem:$0x0];
	_ =	sdelay $0x2  }
0xb8: {  	s31 =	sshll.u32 s1, $0xD;
	s1 =	sshrl.u32 s1, $0x2  }
0xb9: {  	s3 =	sand.u32 $0x4000, s31;
	s1 =	sadd.s32 s1, s30  }
0xba: {  	s0 =	sor.u32 s3, s0;
	s1 =	sshll.u32 s1, $0x11  }
0xbb: {  	s0 =	sor.u32 s1, s0  }
0xbc: {  	s0 =	sadd.s32 $0x8F2B, s0  }
0xbd: {  	[sflag:s0] =	ssyncadd.remote.s32 $0x1  }
0xbe: {  	_ =	sfence.sel $0xFFFF  }
0xbf: {  	[dreg:$0x0] =	wrdreg $0xFFFFFFFF;
	(pc) =	sbr.abs _section_cstart, $3  }
0xc0: {  	[dreg:$0x1] =	wrdreg $0xFFFFFFFF  }
0xc1: {  	_ =	task.clear_ibuf [dreg:s6], $0x2FFFF;
	_ =	strace $0x9FFFFFFF  }
0xc2: {  	(tm) =	ssettm $0x7FFFFFFF  }
0xc3: {  	_ =	shalt  }
tec
execute0_lowered:
.L_overlay_start_1:
0x0: {  	(tag) =	ssettag $0x1  }
0x1: {  	s5 =	rddreg [dreg:$0x0]  }
0x2: {  	s2 =	rddreg [dreg:$0x1]  }
0x3: {  	s0 =	rddreg [dreg:$0x2]  }
0x4: {  	s3 =	simm.s32 $0x0;
	s1 =	stileid.u32;
	s4 =	srdreg.scid  }
0x5: {  	s15 =	simm.s32 $0x78;
	s16 =	simm.s32 $0x4EC0;
	s17 =	simm.s32 $0x6CC0  }
0x6: {  	s18 =	simm.s32 $0x1;
	s19 =	simm.s32 $0x2;
	s20 =	simm.s32 $0x27D8  }
0x7: {  	s21 =	simm.s32 $0x3;
	s22 =	simm.s32 $0x4;
	s6 =	smul.u32 $0x4EC, s1  }
0x8: {  	s25 =	simm.s32 $0x0;
	[smem:$0x7FF] =	sst s3;
	s10 =	smul.u32 $0x27000, s1  }
0x9: {  	s4 =	sand.u32 $0x1, s4;
	s30 =	smul.u32 $0x13800, s1;
	s12 =	sadd.s32 $0x92400, s2  }
0xa: {  	p0 =	seq.s32 s1, $0xF;
	_ =	strace $0x8000004A;
	s7 =	smul.u32 $0x13880, s4  }
0xb: {  	s8 =	ssub.s32 $0x2, s4;
	s4 =	sadd.s32 $0x2000, s5;
	s13 =	sshll.u32 @!p0 s1, $0x6  }
0xc: {  	s12 =	sshrl.u32 @p0 s12, $0x3;
	s6 =	sadd.s32 s6, s5;
	s9 =	sshrl.u32 s8, $0x1  }
0xd: {  	s29 =	sshrl.u32 s10, $0x2;
	s31 =	sshrl.u32 s30, $0x1;
	s23 =	sshrl.u32 s30, $0x4  }
0xe: {  	s10 =	simm.s32 $0x5;
	s13 =	sor.u32 @!p0 $0x1C05, s13;
	s11 =	sadd.s32 s7, s5  }
0xf: {  	s9 =	ssub.s32 s8, s9;
	s5 =	sadd.s32 $0x7DA00, s6;
	s6 =	sadd.s32 $0x78A00, s6  }
0x10: {  	s14 =	sadd.s32 s29, s2;
	s24 =	sadd.s32 s31, s2;
	s7 =	sadd.s32 $0x3600, s11  }
0x11: {  	s8 =	sadd.s32 $0x2A800, s11;
	s9 =	smax.u32 s9, $0x1;
	s11 =	simm.s32 $0x2760  }
0x12: {  	s14 =	sshrl.u32 @!p0 s14, $0x3;
	s24 =	sshrl.u32 @!p0 s24, $0x3;
	s23 =	sadd.s32 @!p0 s23, s8  }
.LBB2_1:
0x13: {  	[tilespmem:s3], [sflag:$0x5] =	stream.linear.gather [hbm4b:s5+s3], $0x2760, $0x38;
	[tilespmem:$0x12720] =	vst v63  }
0x14: {  	_ =	swait.ge [sflag:s10], $0x2760  }
0x15: {  	[sflag:s10] =	ssyncset.done $0x0  }
0x16: {  	[sflag:s10] =	ssyncadd.s32 $0xFFFFD8A0  }
0x17: {  	[tilespmem:s11], [sflag:$0x5] =	stream.linear.gather [hbm4b:s6+s3], $0x2760, $0x38;
	[tilespmem:$0x12720] =	vst v63  }
0x18: {  	_ =	swait.ge [sflag:s10], $0x2760  }
0x19: {  	[sflag:s10] =	ssyncset.done $0x0  }
0x1a: {  	s26 =	simm.s32 @p0 $0x1FC5;
	[sflag:s10] =	ssyncadd.s32 $0xFFFFD8A0  }
0x1b: {  	[spmem:s12], [sflag:s26] =	dma.local @p0 [hbm:s4], $0x1440  }
0x1c: {  	s26 =	simm.s32 @p0 $0x5  }
0x1d: {  	_ =	swait.ge @p0 [sflag:s26], $0x1440  }
0x1e: {  	[sflag:s26] =	ssyncset.done @p0 $0x0  }
0x1f: {  	[sflag:s26] =	ssyncadd.s32 @p0 $0xFFFFEBC0;
	s26 =	simm.s32 @!p0 $0x5  }
0x20: {  	[spmem:s14], [sflag:s13] =	dma.local @!p0 [hbm:s4], $0x1380  }
0x21: {  	_ =	swait.ge @!p0 [sflag:s26], $0x1380  }
0x22: {  	[sflag:s26] =	ssyncset.done @!p0 $0x0  }
0x23: {  	[sflag:s26] =	ssyncadd.s32 @!p0 $0xFFFFEC80  }
0x24: {  	[bflag:$0x0] =	sbarrier.arrive $0xFFFF  }
0x25: {  	[tilespmem:s16], [sflag:$0x1] =	stream.indirect.gather [hbm4b:s7+s15], $0x40, s3, s15, $0xb8;
	[tilespmem:$0x12720] =	vst v63  }
0x26: {  	_ = 	snop  }
0x27: {  	[tilespmem:s17], [sflag:$0x2] =	stream.indirect.gather [hbm4b:s7+s15], $0x40, s15, s15, $0xb8;
	[tilespmem:$0x12720] =	vst v63  }
0x28: {  	_ =	swait.ge [sflag:s18], $0x1E00  }
0x29: {  	[sflag:s18] =	ssyncset.done $0x0  }
0x2a: {  	[sflag:s18] =	ssyncadd.s32 $0xFFFFE200  }
0x2b: {  	[spmem:s2] =	stream.indirect.scatter.add.bf16 [tilespmem:s16], [sflag:$0x3], $0x40, s11, s15, $0xb8;
	[tilespmem:$0x12720] =	vst v63  }
0x2c: {  	_ =	swait.ge [sflag:s19], $0x1E00  }
0x2d: {  	[sflag:s19] =	ssyncset.done $0x0  }
0x2e: {  	[sflag:s19] =	ssyncadd.s32 $0xFFFFE200  }
0x2f: {  	[spmem:s2] =	stream.indirect.scatter.add.bf16 [tilespmem:s17], [sflag:$0x4], $0x40, s20, s15, $0xb8;
	[tilespmem:$0x12720] =	vst v63  }
0x30: {  	_ =	swait.ge [sflag:s21], $0x1E00  }
0x31: {  	[sflag:s21] =	ssyncset.done $0x0  }
0x32: {  	[sflag:s21] =	ssyncadd.s32 $0xFFFFE200  }
0x33: {  	_ =	swait.ge [sflag:s22], $0x1E00  }
0x34: {  	[sflag:s22] =	ssyncset.done $0x0  }
0x35: {  	s29 =	simm.s32 $0xF0;
	[sflag:s22] =	ssyncadd.s32 $0xFFFFE200  }
0x36: {  	[tilespmem:s16], [sflag:$0x1] =	stream.indirect.gather [hbm4b:s7+s15], $0x40, s29, s15, $0xb8;
	[tilespmem:$0x12720] =	vst v63  }
0x37: {  	s30 =	simm.s32 $0x168  }
0x38: {  	[tilespmem:s17], [sflag:$0x2] =	stream.indirect.gather [hbm4b:s7+s15], $0x40, s30, s15, $0xb8;
	[tilespmem:$0x12720] =	vst v63  }
0x39: {  	_ =	swait.ge [sflag:s18], $0x1E00  }
0x3a: {  	[sflag:s18] =	ssyncset.done $0x0  }
0x3b: {  	s31 =	simm.s32 $0x2850;
	[sflag:s18] =	ssyncadd.s32 $0xFFFFE200  }
0x3c: {  	[spmem:s2] =	stream.indirect.scatter.add.bf16 [tilespmem:s16], [sflag:$0x3], $0x40, s31, s15, $0xb8;
	[tilespmem:$0x12720] =	vst v63  }
0x3d: {  	_ =	swait.ge [sflag:s19], $0x1E00  }
0x3e: {  	[sflag:s19] =	ssyncset.done $0x0  }
0x3f: {  	s28 =	simm.s32 $0x28C8;
	s26 =	simm.s32 $0xFFFF6A00;
	[sflag:s19] =	ssyncadd.s32 $0xFFFFE200  }
.LBB2_2:
0x40: {  	[spmem:s2] =	stream.indirect.scatter.add.bf16 [tilespmem:s17], [sflag:$0x4], $0x40, s28, s15, $0xb8;
	[tilespmem:$0x12720] =	vst v63  }
0x41: {  	s28 =	smov.u32 s26  }
0x42: {  	p1 =	sne.s32 s26, $0xFFFFFC40;
	s26 =	sadd.s32 $0x3C0, s26;
	_ =	swait.ge [sflag:s21], $0x1E00  }
0x43: {  	[sflag:s21] =	ssyncset.done $0x0  }
0x44: {  	[sflag:s21] =	ssyncadd.s32 $0xFFFFE200  }
0x45: {  	_ =	swait.ge [sflag:s22], $0x1E00  }
0x46: {  	s28 =	sshra.s32 s28, $0x2;
	[sflag:s22] =	ssyncset.done $0x0  }
0x47: {  	s29 =	sadd.s32 $0x2760, s28;
	[sflag:s22] =	ssyncadd.s32 $0xFFFFE200  }
0x48: {  	[tilespmem:s16], [sflag:$0x1] =	stream.indirect.gather [hbm4b:s7+s15], $0x40, s29, s15, $0xb8;
	[tilespmem:$0x12720] =	vst v63  }
0x49: {  	s29 =	sadd.s32 $0x27D8, s28  }
0x4a: {  	[tilespmem:s17], [sflag:$0x2] =	stream.indirect.gather [hbm4b:s7+s15], $0x40, s29, s15, $0xb8;
	[tilespmem:$0x12720] =	vst v63  }
0x4b: {  	_ =	swait.ge [sflag:s18], $0x1E00  }
0x4c: {  	[sflag:s18] =	ssyncset.done $0x0  }
.Ltmp0:
0x4d: {  	s29 =	sadd.s32 $0x4EC0, s28;
	[sflag:s18] =	ssyncadd.s32 $0xFFFFE200;
	(pc) =	sbr.rel @p1 .LBB2_2-.Ltmp0, $4  }
0x4e: {  	[spmem:s2] =	stream.indirect.scatter.add.bf16 [tilespmem:s16], [sflag:$0x3], $0x40, s29, s15, $0xb8;
	[tilespmem:$0x12720] =	vst v63  }
0x4f: {  	_ =	swait.ge [sflag:s19], $0x1E00  }
0x50: {  	[sflag:s19] =	ssyncset.done $0x0  }
0x51: {  	s28 =	sadd.s32 $0x4F38, s28;
	[sflag:s19] =	ssyncadd.s32 $0xFFFFE200  }
0x52: {  	[spmem:s2] =	stream.indirect.scatter.add.bf16 [tilespmem:s17], [sflag:$0x4], $0x40, s28, s15, $0xb8;
	[tilespmem:$0x12720] =	vst v63  }
0x53: {  	_ =	swait.ge [sflag:s21], $0x1E00  }
0x54: {  	[sflag:s21] =	ssyncset.done $0x0  }
0x55: {  	[sflag:s21] =	ssyncadd.s32 $0xFFFFE200  }
0x56: {  	_ =	swait.ge [sflag:s22], $0x1E00  }
0x57: {  	[sflag:s22] =	ssyncset.done $0x0  }
0x58: {  	[sflag:s22] =	ssyncadd.s32 $0xFFFFE200  }
0x59: {  	s26 =	sadd.s32 @p0 $0x12480, s8;
	s28 =	simm.s32 @p0 $0x1FC5;
	[bflag:$0x0] =	sbarrier.arrive $0xFFFF  }
0x5a: {  	[hbm:s26], [sflag:s28] =	dma.local @p0 [spmem:s12], $0x1400  }
0x5b: {  	s26 =	simm.s32 @p0 $0x5  }
0x5c: {  	s25 =	sadd.s32 $0x1, s25;
	_ =	swait.ge @p0 [sflag:s26], $0x1400  }
0x5d: {  	p1 =	sne.s32 s25, s9;
	[sflag:s26] =	ssyncset.done @p0 $0x0  }
.Ltmp1:
0x5e: {  	[sflag:s26] =	ssyncadd.s32 @p0 $0xFFFFEC00;
	s26 =	simm.s32 @!p0 $0x5;
	(pc) =	sbr.rel @p1 .LBB2_1-.Ltmp1, $4  }
0x5f: {  	[hbm:s23], [sflag:s13] =	dma.local @!p0 [spmem:s24], $0x1380  }
0x60: {  	_ =	swait.ge @!p0 [sflag:s26], $0x1380  }
0x61: {  	[sflag:s26] =	ssyncset.done @!p0 $0x0  }
0x62: {  	[sflag:s26] =	ssyncadd.s32 @!p0 $0xFFFFEC80  }
0x63: {  	_ =	sfence.sel $0x180000  }
0x64: {  	[bflag:$0x0] =	sbarrier.arrive $0xFFFF  }
0x65: {  	p0 =	sne.s32 s1, $0x0;
	_ =	strace $0x9000004A  }
0x66: {  	s0 =	sadd.s32 @!p0 $0x100000, s0;
	[bflag:$0x2] =	sbarrier.arrive $0xFFFF  }
0x67: {  	[sflag:s0] =	ssyncadd.tile.s32 @!p0 $0x1;
	_ =	shalt  }
.Lfunc_end2:
_tile_overlayer_lowered:
.L_overlay_start_2:
0x68: {  	(tag) =	ssettag $0x2  }
0x69: {  	s0 =	rddreg [dreg:$0x0];
	s2 =	stileid.u32  }
0x6a: {  	s1 =	rddreg [dreg:$0x1];
	p0 =	sne.s32 s2, $0x0  }
0x6b: {  	s3 =	rddreg [dreg:$0x2];
	[bflag:$0x3] =	sbarrier.arrive $0xFFFF;
	s2 =	simm.s32 @!p0 $0x1C05  }
0x6c: {  	[timem:s3], [sflag:s2] =	dma.local @!p0 [hbm:s0], s1  }
0x6d: {  	s0 =	simm.s32 @!p0 $0x5  }
0x6e: {  	_ =	swait.ge @!p0 [sflag:s0], s1  }
0x6f: {  	s1 =	ssub.s32 @!p0 $0x0, s1;
	[sflag:s0] =	ssyncset.done @!p0 $0x0  }
0x70: {  	[sflag:s0] =	ssyncadd.s32 @!p0 s1  }
0x71: {  	[bflag:$0x3] =	sbarrier.arrive $0xFFFF  }
0x72: {  	_ =	shalt  }

// kernel: kernel.15.cloned.1.call-start
scs
__scs_entry_jumppad:
0x0: {  	(pc) =	sbr.rel $0x88, $3  }
0x1: {  	(tag) =	ssettag $0x0;
	lr =	simm.s32 $0x1  }
0x2: {  	[smem:$0x3F96] =	sst lr;
	_ =	strace $0xD0000000  }
0x3: {  	_ = 	snop  }
0x4: {  	_ = 	snop  }
0x5: {  	_ = 	snop  }
0x6: {  	_ = 	snop  }
0x7: {  	_ = 	snop  }
__scs_overlays_trampoline_lowered:
0x8: {  	[smem:$0x3FA5] =	sst s0  }
0x9: {  	[smem:$0x3FA6] =	sst s1  }
0xa: {  	[smem:$0x3FA7] =	sst s2  }
0xb: {  	[smem:$0x3FA8] =	sst s3  }
0xc: {  	[smem:$0x3FA9] =	sst s4  }
0xd: {  	[smem:$0x3FAA] =	sst s5  }
0xe: {  	[smem:$0x3FAB] =	sst s6  }
0xf: {  	[smem:$0x3FAC] =	sst s7  }
0x10: {  	[smem:$0x3FAD] =	sst s8  }
0x11: {  	[smem:$0x3FAE] =	sst s9;
	s0 =	simm.s32 @!p0 $0x0  }
0x12: {  	s1 =	sld [smem:$0x3F94];
	s0 =	simm.s32 @p0 $0x1  }
0x13: {  	[smem:$0x3FAF] =	sst s0;
	s0 =	simm.s32 @!p1 $0x0  }
0x14: {  	s2 =	sld [smem:$0x3F93];
	s0 =	simm.s32 @p1 $0x1  }
0x15: {  	[smem:$0x3FB0] =	sst s0;
	s0 =	simm.s32 @!p2 $0x0  }
0x16: {  	s3 =	sld [smem:$0x3FDB];
	s0 =	simm.s32 @p2 $0x1  }
0x17: {  	s4 =	simm.s32 $0x1BF5;
	[smem:$0x3FB2] =	sst s0  }
0x18: {  	s0 =	sld [smem:$0x3F95];
	_ =	swait.ge [sflag:s4], $0x0  }
0x19: {  	s7 =	sld [smem:$0x3F96]  }
0x1a: {  	s8 =	sadd.s32 $0xFFFFE003, lr  }
0x1b: {  	s9 =	sadd.s32 $0xFFFFFEF7, lr;
	s5 =	simm.s32 $0xFFFFFFFF;
	p2 =	slt.u32 s8, $0xFFFFF086  }
0x1c: {  	p1 =	slt.u32 s9, $0xF7A;
	s5 =	simm.s32 @!p2 $0x0  }
0x1d: {  	s5 =	simm.s32 @p1 $0x1;
	p0 =	seq.s32 s7, s2  }
0x1e: {  	s7 =	smul.u32 @!p0 $0xF7A, s2;
	p2 =	seq.s32 @!p0 s5, $0x0  }
0x1f: {  	s9 =	smul.u32 $0xF7A, s1;
	s8 =	simm.s32 @!p0 $0x1BF5;
	p2 =	por !p2, p0  }
0x20: {  	[sflag:s8] =	ssyncset.s32 @!p0 $0xFFFFF086;
	s6 =	sadd.s32 @!p0 s3, s7;
	s7 =	simm.s32 @!p0 $0x108  }
0x21: {  	s3 =	sadd.s32 s3, s9;
	s6 =	sadd.s32 @!p0 $0x88, s6;
	s7 =	simm.s32 @p2 $0x1082  }
0x22: {  	[simem:s7], [sflag:s8] =	dma.local @!p0 [hbm:s6], $0xF7A  }
0x23: {  	s9 =	sor.u32 $0xD0000000, s2;
	s6 =	simm.s32 $0x108;
	_ =	swait.ge @!p0 [sflag:s8], $0x0  }
0x24: {  	s3 =	sadd.s32 $0x88, s3;
	s6 =	simm.s32 @!p1 $0x1082;
	[sflag:s4] =	ssyncset.s32 $0xFFFFF086  }
0x25: {  	[simem:s6], [sflag:s4] =	dma.local [hbm:s3], $0xF7A  }
0x26: {  	[smem:$0x3F96] =	sst s1;
	(tag) =	ssettag s2;
	_ =	strace s9  }
0x27: {  	s1 =	sld [smem:$0x3FA6]  }
0x28: {  	s2 =	sld [smem:$0x3FA7]  }
0x29: {  	s4 =	sld [smem:$0x3FA9]  }
0x2a: {  	p0 =	seq.s32 s5, $0x0;
	s5 =	sld [smem:$0x3FAA]  }
0x2b: {  	s6 =	sld [smem:$0x3FAB]  }
0x2c: {  	s7 =	sld [smem:$0x3FAC]  }
0x2d: {  	s3 =	simm.s32 $0x108;
	s8 =	sld [smem:$0x3FAD]  }
0x2e: {  	s3 =	simm.s32 @!p0 $0x1082;
	s9 =	sld [smem:$0x3FAE]  }
0x2f: {  	lr =	sadd.s32 s0, s3;
	s0 =	sld [smem:$0x3FA5]  }
0x30: {  	s3 =	sld [smem:$0x3FA8]  }
0x31: {  	[smem:$0x3FB1] =	sst s10  }
0x32: {  	s10 =	sld [smem:$0x3FAF];
	_ =	sdelay $0x3  }
0x33: {  	p0 =	seq.s32 s10, $0x1;
	s10 =	sld [smem:$0x3FB1];
	_ =	sdelay $0x3  }
0x34: {  	[smem:$0x3FB1] =	sst s10  }
0x35: {  	s10 =	sld [smem:$0x3FB0];
	_ =	sdelay $0x3  }
0x36: {  	p1 =	seq.s32 s10, $0x1;
	s10 =	sld [smem:$0x3FB1];
	_ =	sdelay $0x3  }
0x37: {  	[smem:$0x3FB1] =	sst s10  }
0x38: {  	s10 =	sld [smem:$0x3FB2]  }
0x39: {  	_ = 	snop;
	(pc) =	sbr.ind lr, $3  }
0x3a: {  	_ = 	snop  }
0x3b: {  	_ = 	snop  }
0x3c: {  	p2 =	seq.s32 s10, $0x1;
	s10 =	sld [smem:$0x3FB1]  }
0x3d: {  	_ =	shalt  }
0x3e: {  	_ =	shalt  }
0x3f: {  	_ =	shalt  }
0x40: {  	_ =	shalt  }
0x41: {  	_ =	shalt  }
0x42: {  	_ =	shalt  }
0x43: {  	_ =	shalt  }
0x44: {  	_ =	shalt  }
0x45: {  	_ =	shalt  }
0x46: {  	_ =	shalt  }
0x47: {  	_ =	shalt  }
0x48: {  	_ =	shalt  }
0x49: {  	_ =	shalt  }
0x4a: {  	_ =	shalt  }
0x4b: {  	_ =	shalt  }
0x4c: {  	_ =	shalt  }
0x4d: {  	_ =	shalt  }
0x4e: {  	_ =	shalt  }
0x4f: {  	_ =	shalt  }
0x50: {  	_ =	shalt  }
0x51: {  	_ =	shalt  }
0x52: {  	_ =	shalt  }
0x53: {  	_ =	shalt  }
0x54: {  	_ =	shalt  }
0x55: {  	_ =	shalt  }
0x56: {  	_ =	shalt  }
0x57: {  	_ =	shalt  }
0x58: {  	_ =	shalt  }
0x59: {  	_ =	shalt  }
0x5a: {  	_ =	shalt  }
0x5b: {  	_ =	shalt  }
0x5c: {  	_ =	shalt  }
0x5d: {  	_ =	shalt  }
0x5e: {  	_ =	shalt  }
0x5f: {  	_ =	shalt  }
0x60: {  	_ =	shalt  }
0x61: {  	_ =	shalt  }
0x62: {  	_ =	shalt  }
0x63: {  	_ =	shalt  }
0x64: {  	_ =	shalt  }
0x65: {  	_ =	shalt  }
0x66: {  	_ =	shalt  }
0x67: {  	_ =	shalt  }
0x68: {  	_ =	shalt  }
0x69: {  	_ =	shalt  }
0x6a: {  	_ =	shalt  }
0x6b: {  	_ =	shalt  }
0x6c: {  	_ =	shalt  }
0x6d: {  	_ =	shalt  }
0x6e: {  	_ =	shalt  }
0x6f: {  	_ =	shalt  }
0x70: {  	_ =	shalt  }
0x71: {  	_ =	shalt  }
0x72: {  	_ =	shalt  }
0x73: {  	_ =	shalt  }
0x74: {  	_ =	shalt  }
0x75: {  	_ =	shalt  }
0x76: {  	_ =	shalt  }
0x77: {  	_ =	shalt  }
0x78: {  	_ =	shalt  }
0x79: {  	_ =	shalt  }
0x7a: {  	_ =	shalt  }
0x7b: {  	_ =	shalt  }
0x7c: {  	_ =	shalt  }
0x7d: {  	_ =	shalt  }
0x7e: {  	_ =	shalt  }
0x7f: {  	_ =	shalt  }
0x80: {  	_ =	shalt  }
0x81: {  	_ =	shalt  }
0x82: {  	_ =	shalt  }
0x83: {  	_ =	shalt  }
0x84: {  	_ =	shalt  }
0x85: {  	_ =	shalt  }
0x86: {  	_ =	shalt  }
0x87: {  	_ =	shalt  }
.Lfunc_end0:
.L_simem_size_0:
called_computation.2_lowered:
.L_overlay_start_0:
0x88: {  	s2 =	sld [smem:$0x3FD9]  }
0x89: {  	s3 =	sld [smem:$0x3FFE];
	_ =	sdelay $0x1  }
0x8a: {  	s1 =	srdreg.scid  }
0x8b: {  	s0 =	sand.u32 $0x1, s1  }
0x8c: {  	s17 =	sshll.u32 s0, $0xA;
	s2 =	sadd.s32 s3, s2  }
0x8d: {  	s2 =	sadd.s32 s2, s17  }
0x8e: {  	[smem:$0x3FBD] =	sst s2  }
0x8f: {  	_ = 	snop  }
0x90: {  	s2 =	sld [smem:$0x3FD0];
	(tm) =	ssettm $0x1  }
0x91: {  	s18 =	sld [smem:$0x3FFB];
	_ =	sdelay $0x3  }
0x92: {  	_ =	strace s18  }
0x93: {  	s3 =	sld [smem:$0x3FFC];
	_ =	sdelay $0x3  }
0x94: {  	_ =	strace s3  }
0x95: {  	s3 =	sld [smem:$0x3FFD];
	_ =	sdelay $0x3  }
0x96: {  	_ =	strace s3  }
0x97: {  	_ =	strace $0x8FFFFFFF  }
0x98: {  	s19 =	sld [smem:$0x3FDB];
	_ =	sdelay $0x1  }
0x99: {  	s4 =	simm.s32 $_scs_section_size  }
0x9a: {  	s5 =	simm.s32 $_size__tile_overlayer_lowered;
	s6 =	simm.s32 $_tile_overlayer_lowered  }
0x9b: {  	s22 =	simm.s32 $0x1BFF;
	s21 =	sshll.u32 s6, $0x1;
	s3 =	sadd.s32 s4, s19  }
0x9c: {  	s7 =	simm.s32 $0x0;
	s20 =	sshll.u32 s5, $0x1;
	s5 =	sadd.s32 s21, s3  }
0x9d: {  	[timem:s7], [sflag:s22] =	dma.local [hbm:s5], s20  }
0x9e: {  	_ =	swait.ge [sflag:s22], s20  }
0x9f: {  	s4 =	ssub.s32 $0x0, s20;
	[sflag:s22] =	ssyncset.done $0x0  }
0xa0: {  	[sflag:s22] =	ssyncadd.s32 s4;
	_ =	sdelay $0x1  }
0xa1: {  	s23 =	simm.s32 $0x1B8B  }
0xa2: {  	_ =	swait.ge [sflag:s23], $0x1  }
0xa3: {  	[sflag:s23] =	ssyncset.done $0x0  }
0xa4: {  	s25 =	simm.s32 $0x1B8E;
	s24 =	sld [smem:$0x3FFE];
	[sflag:s23] =	ssyncadd.s32 $0xFFFFFFFF  }
0xa5: {  	s26 =	simm.s32 $execute0_lowered;
	[smem:$0x3FD2] =	sst s25  }
0xa6: {  	s5 =	sshll.u32 s26, $0x1;
	_ =	strace $0x8000004C;
	[dreg:$0x1] =	wrdreg $0xFFFFFFFF  }
0xa7: {  	s28 =	simm.s32 $_size_execute0_lowered;
	s3 =	sadd.s32 s3, s5;
	[dreg:$0x0] =	wrdreg $0x0  }
0xa8: {  	s5 =	sshll.u32 s28, $0x1;
	[dreg:$0x2] =	wrdreg s3  }
0xa9: {  	[dreg:$0x3] =	wrdreg s5  }
0xaa: {  	[dreg:$0x4] =	wrdreg $0xC0  }
0xab: {  	_ =	task [dreg:s7], $0x5FFFF  }
0xac: {  	[dreg:$0x1] =	wrdreg $0xFFFFFFFF  }
0xad: {  	[dreg:$0x0] =	wrdreg $0x60  }
0xae: {  	[dreg:$0x2] =	wrdreg s2  }
0xaf: {  	[dreg:$0x3] =	wrdreg s24  }
0xb0: {  	[dreg:$0x4] =	wrdreg $0x5DC00  }
0xb1: {  	[dreg:$0x5] =	wrdreg $0x9  }
0xb2: {  	_ =	task.clear_ibuf [dreg:s7], $0x6FFFF;
	_ =	strace $0x9000004C  }
0xb3: {  	s29 =	simm.s32 $0x9;
	_ =	strace $0x8000004E  }
0xb4: {  	_ =	swait.ge [sflag:s29], $0x1  }
0xb5: {  	[sflag:s29] =	ssyncadd.s32 $0xFFFFFFFF  }
0xb6: {  	_ =	strace $0x9000004E  }
0xb7: {  	_ =	sfence  }
0xb8: {  	s30 =	sld [smem:$0x0];
	_ =	sdelay $0x2  }
0xb9: {  	s31 =	sshll.u32 s1, $0xD;
	s1 =	sshrl.u32 s1, $0x2  }
0xba: {  	s3 =	sand.u32 $0x4000, s31;
	s1 =	sadd.s32 s1, s30  }
0xbb: {  	s0 =	sor.u32 s3, s0;
	s1 =	sshll.u32 s1, $0x11  }
0xbc: {  	s0 =	sor.u32 s1, s0  }
0xbd: {  	s0 =	sadd.s32 $0x8F2B, s0  }
0xbe: {  	[sflag:s0] =	ssyncadd.remote.s32 $0x1  }
0xbf: {  	_ =	sfence.sel $0xFFFF  }
0xc0: {  	[dreg:$0x0] =	wrdreg $0xFFFFFFFF;
	(pc) =	sbr.abs _section_cstart, $3  }
0xc1: {  	[dreg:$0x1] =	wrdreg $0xFFFFFFFF  }
0xc2: {  	_ =	task.clear_ibuf [dreg:s7], $0x2FFFF;
	_ =	strace $0x9FFFFFFF  }
0xc3: {  	(tm) =	ssettm $0x7FFFFFFF  }
tec
execute0_lowered:
.L_overlay_start_1:
0x0: {  	(tag) =	ssettag $0x1  }
0x1: {  	s7 =	rddreg [dreg:$0x0]  }
0x2: {  	s5 =	rddreg [dreg:$0x1]  }
0x3: {  	s2 =	rddreg [dreg:$0x2]  }
0x4: {  	s0 =	rddreg [dreg:$0x3]  }
0x5: {  	s3 =	simm.s32 $0x0;
	s1 =	stileid.u32;
	s4 =	srdreg.scid  }
0x6: {  	s16 =	simm.s32 $0x4EC0;
	s17 =	simm.s32 $0x5640;
	s18 =	simm.s32 $0x1  }
0x7: {  	s19 =	simm.s32 $0x2;
	s20 =	simm.s32 $0x27D8;
	s21 =	simm.s32 $0x3  }
0x8: {  	s22 =	simm.s32 $0x4;
	s25 =	simm.s32 $0x0;
	s6 =	smul.u32 $0x4EC, s1  }
0x9: {  	[smem:$0x7FF] =	sst s3;
	s4 =	sand.u32 $0x1, s4;
	s11 =	smul.u32 $0x9C00, s1  }
0xa: {  	s30 =	smul.u32 $0x4E00, s1;
	s13 =	sadd.s32 $0x24900, s2;
	p0 =	seq.s32 s1, $0xF  }
0xb: {  	_ =	strace $0x8000004D;
	s8 =	smul.u32 $0x4E20, s4;
	s9 =	ssub.s32 $0x2, s4  }
0xc: {  	s4 =	sadd.s32 $0x51A00, s5;
	s15 =	sshll.u32 @!p0 s1, $0x6;
	s6 =	sadd.s32 s6, s5  }
0xd: {  	s10 =	sshrl.u32 s9, $0x1;
	s29 =	sshrl.u32 s11, $0x2;
	s31 =	sshrl.u32 s30, $0x1  }
0xe: {  	s23 =	sshrl.u32 s30, $0x4;
	s11 =	simm.s32 $0x2760;
	s12 =	sadd.s32 s8, s5  }
0xf: {  	s9 =	ssub.s32 s9, s10;
	s5 =	sadd.s32 $0x7DA00, s6;
	s6 =	sadd.s32 $0x78A00, s6  }
0x10: {  	s14 =	sadd.s32 s29, s2;
	s7 =	sadd.s32 s7, s8;
	s24 =	sadd.s32 s31, s2  }
0x11: {  	s10 =	simm.s32 $0x5;
	s8 =	sadd.s32 $0x52000, s12;
	s9 =	smax.u32 s9, $0x1  }
0x12: {  	s12 =	sshrl.u32 @p0 s13, $0x3;
	s13 =	sor.u32 @!p0 $0x1C05, s15;
	s14 =	sshrl.u32 @!p0 s14, $0x3  }
0x13: {  	s15 =	simm.s32 $0x78;
	s24 =	sshrl.u32 @!p0 s24, $0x3;
	s23 =	sadd.s32 @!p0 s23, s8  }
.LBB2_1:
0x14: {  	[tilespmem:s3], [sflag:$0x5] =	stream.linear.gather [hbm4b:s5+s3], $0x2760, $0x38;
	[tilespmem:$0x84D8] =	vst v63  }
0x15: {  	_ =	swait.ge [sflag:s10], $0x2760  }
0x16: {  	[sflag:s10] =	ssyncset.done $0x0  }
0x17: {  	[sflag:s10] =	ssyncadd.s32 $0xFFFFD8A0  }
0x18: {  	[tilespmem:s11], [sflag:$0x5] =	stream.linear.gather [hbm4b:s6+s3], $0x2760, $0x38;
	[tilespmem:$0x84D8] =	vst v63  }
0x19: {  	_ =	swait.ge [sflag:s10], $0x2760  }
0x1a: {  	[sflag:s10] =	ssyncset.done $0x0  }
0x1b: {  	s26 =	simm.s32 @p0 $0x1FC5;
	[sflag:s10] =	ssyncadd.s32 $0xFFFFD8A0  }
0x1c: {  	[spmem:s12], [sflag:s26] =	dma.local @p0 [hbm:s4], $0x510  }
0x1d: {  	s26 =	simm.s32 @p0 $0x5  }
0x1e: {  	_ =	swait.ge @p0 [sflag:s26], $0x510  }
0x1f: {  	[sflag:s26] =	ssyncset.done @p0 $0x0  }
0x20: {  	[sflag:s26] =	ssyncadd.s32 @p0 $0xFFFFFAF0;
	s26 =	simm.s32 @!p0 $0x5  }
0x21: {  	[spmem:s14], [sflag:s13] =	dma.local @!p0 [hbm:s4], $0x4E0  }
0x22: {  	_ =	swait.ge @!p0 [sflag:s26], $0x4E0  }
0x23: {  	[sflag:s26] =	ssyncset.done @!p0 $0x0  }
0x24: {  	[sflag:s26] =	ssyncadd.s32 @!p0 $0xFFFFFB20  }
0x25: {  	[bflag:$0x0] =	sbarrier.arrive $0xFFFF  }
0x26: {  	[tilespmem:s16], [sflag:$0x1] =	stream.indirect.gather [hbm4b:s7+s15], $0x10, s3, s15, $0xb8;
	[tilespmem:$0x84D8] =	vst v63  }
0x27: {  	_ = 	snop  }
0x28: {  	[tilespmem:s17], [sflag:$0x2] =	stream.indirect.gather [hbm4b:s7+s15], $0x10, s15, s15, $0xb8;
	[tilespmem:$0x84D8] =	vst v63  }
0x29: {  	_ =	swait.ge [sflag:s18], $0x780  }
0x2a: {  	[sflag:s18] =	ssyncset.done $0x0  }
0x2b: {  	[sflag:s18] =	ssyncadd.s32 $0xFFFFF880  }
0x2c: {  	[spmem:s2] =	stream.indirect.scatter.add.bf16 [tilespmem:s16], [sflag:$0x3], $0x10, s11, s15, $0xb8;
	[tilespmem:$0x84D8] =	vst v63  }
0x2d: {  	_ =	swait.ge [sflag:s19], $0x780  }
0x2e: {  	[sflag:s19] =	ssyncset.done $0x0  }
0x2f: {  	[sflag:s19] =	ssyncadd.s32 $0xFFFFF880  }
0x30: {  	[spmem:s2] =	stream.indirect.scatter.add.bf16 [tilespmem:s17], [sflag:$0x4], $0x10, s20, s15, $0xb8;
	[tilespmem:$0x84D8] =	vst v63  }
0x31: {  	_ =	swait.ge [sflag:s21], $0x780  }
0x32: {  	[sflag:s21] =	ssyncset.done $0x0  }
0x33: {  	[sflag:s21] =	ssyncadd.s32 $0xFFFFF880  }
0x34: {  	_ =	swait.ge [sflag:s22], $0x780  }
0x35: {  	[sflag:s22] =	ssyncset.done $0x0  }
0x36: {  	s29 =	simm.s32 $0xF0;
	[sflag:s22] =	ssyncadd.s32 $0xFFFFF880  }
0x37: {  	[tilespmem:s16], [sflag:$0x1] =	stream.indirect.gather [hbm4b:s7+s15], $0x10, s29, s15, $0xb8;
	[tilespmem:$0x84D8] =	vst v63  }
0x38: {  	s30 =	simm.s32 $0x168  }
0x39: {  	[tilespmem:s17], [sflag:$0x2] =	stream.indirect.gather [hbm4b:s7+s15], $0x10, s30, s15, $0xb8;
	[tilespmem:$0x84D8] =	vst v63  }
0x3a: {  	_ =	swait.ge [sflag:s18], $0x780  }
0x3b: {  	[sflag:s18] =	ssyncset.done $0x0  }
0x3c: {  	s31 =	simm.s32 $0x2850;
	[sflag:s18] =	ssyncadd.s32 $0xFFFFF880  }
0x3d: {  	[spmem:s2] =	stream.indirect.scatter.add.bf16 [tilespmem:s16], [sflag:$0x3], $0x10, s31, s15, $0xb8;
	[tilespmem:$0x84D8] =	vst v63  }
0x3e: {  	_ =	swait.ge [sflag:s19], $0x780  }
0x3f: {  	[sflag:s19] =	ssyncset.done $0x0  }
0x40: {  	s28 =	simm.s32 $0x28C8;
	s26 =	simm.s32 $0xFFFF6A00;
	[sflag:s19] =	ssyncadd.s32 $0xFFFFF880  }
.LBB2_2:
0x41: {  	[spmem:s2] =	stream.indirect.scatter.add.bf16 [tilespmem:s17], [sflag:$0x4], $0x10, s28, s15, $0xb8;
	[tilespmem:$0x84D8] =	vst v63  }
0x42: {  	s28 =	smov.u32 s26  }
0x43: {  	p1 =	sne.s32 s26, $0xFFFFFC40;
	s26 =	sadd.s32 $0x3C0, s26;
	_ =	swait.ge [sflag:s21], $0x780  }
0x44: {  	[sflag:s21] =	ssyncset.done $0x0  }
0x45: {  	[sflag:s21] =	ssyncadd.s32 $0xFFFFF880  }
0x46: {  	_ =	swait.ge [sflag:s22], $0x780  }
0x47: {  	s28 =	sshra.s32 s28, $0x2;
	[sflag:s22] =	ssyncset.done $0x0  }
0x48: {  	s29 =	sadd.s32 $0x2760, s28;
	[sflag:s22] =	ssyncadd.s32 $0xFFFFF880  }
0x49: {  	[tilespmem:s16], [sflag:$0x1] =	stream.indirect.gather [hbm4b:s7+s15], $0x10, s29, s15, $0xb8;
	[tilespmem:$0x84D8] =	vst v63  }
0x4a: {  	s29 =	sadd.s32 $0x27D8, s28  }
0x4b: {  	[tilespmem:s17], [sflag:$0x2] =	stream.indirect.gather [hbm4b:s7+s15], $0x10, s29, s15, $0xb8;
	[tilespmem:$0x84D8] =	vst v63  }
0x4c: {  	_ =	swait.ge [sflag:s18], $0x780  }
0x4d: {  	[sflag:s18] =	ssyncset.done $0x0  }
.Ltmp0:
0x4e: {  	s29 =	sadd.s32 $0x4EC0, s28;
	[sflag:s18] =	ssyncadd.s32 $0xFFFFF880;
	(pc) =	sbr.rel @p1 .LBB2_2-.Ltmp0, $4  }
0x4f: {  	[spmem:s2] =	stream.indirect.scatter.add.bf16 [tilespmem:s16], [sflag:$0x3], $0x10, s29, s15, $0xb8;
	[tilespmem:$0x84D8] =	vst v63  }
0x50: {  	_ =	swait.ge [sflag:s19], $0x780  }
0x51: {  	[sflag:s19] =	ssyncset.done $0x0  }
0x52: {  	s28 =	sadd.s32 $0x4F38, s28;
	[sflag:s19] =	ssyncadd.s32 $0xFFFFF880  }
0x53: {  	[spmem:s2] =	stream.indirect.scatter.add.bf16 [tilespmem:s17], [sflag:$0x4], $0x10, s28, s15, $0xb8;
	[tilespmem:$0x84D8] =	vst v63  }
0x54: {  	_ =	swait.ge [sflag:s21], $0x780  }
0x55: {  	[sflag:s21] =	ssyncset.done $0x0  }
0x56: {  	[sflag:s21] =	ssyncadd.s32 $0xFFFFF880  }
0x57: {  	_ =	swait.ge [sflag:s22], $0x780  }
0x58: {  	[sflag:s22] =	ssyncset.done $0x0  }
0x59: {  	[sflag:s22] =	ssyncadd.s32 $0xFFFFF880  }
0x5a: {  	s26 =	sadd.s32 @p0 $0x4920, s8;
	s28 =	simm.s32 @p0 $0x1FC5;
	[bflag:$0x0] =	sbarrier.arrive $0xFFFF  }
0x5b: {  	[hbm:s26], [sflag:s28] =	dma.local @p0 [spmem:s12], $0x500  }
0x5c: {  	s26 =	simm.s32 @p0 $0x5  }
0x5d: {  	s25 =	sadd.s32 $0x1, s25;
	_ =	swait.ge @p0 [sflag:s26], $0x500  }
0x5e: {  	p1 =	sne.s32 s25, s9;
	[sflag:s26] =	ssyncset.done @p0 $0x0  }
.Ltmp1:
0x5f: {  	[sflag:s26] =	ssyncadd.s32 @p0 $0xFFFFFB00;
	s26 =	simm.s32 @!p0 $0x5;
	(pc) =	sbr.rel @p1 .LBB2_1-.Ltmp1, $4  }
0x60: {  	[hbm:s23], [sflag:s13] =	dma.local @!p0 [spmem:s24], $0x4E0  }
0x61: {  	_ =	swait.ge @!p0 [sflag:s26], $0x4E0  }
0x62: {  	[sflag:s26] =	ssyncset.done @!p0 $0x0  }
0x63: {  	[sflag:s26] =	ssyncadd.s32 @!p0 $0xFFFFFB20  }
0x64: {  	_ =	sfence.sel $0x180000  }
0x65: {  	[bflag:$0x0] =	sbarrier.arrive $0xFFFF  }
0x66: {  	p0 =	sne.s32 s1, $0x0;
	_ =	strace $0x9000004D  }
0x67: {  	s0 =	sadd.s32 @!p0 $0x100000, s0;
	[bflag:$0x2] =	sbarrier.arrive $0xFFFF  }
0x68: {  	[sflag:s0] =	ssyncadd.tile.s32 @!p0 $0x1;
	_ =	shalt  }
.Lfunc_end2:
_tile_overlayer_lowered:
.L_overlay_start_2:
0x69: {  	(tag) =	ssettag $0x2  }
0x6a: {  	s0 =	rddreg [dreg:$0x0];
	s2 =	stileid.u32  }
0x6b: {  	s1 =	rddreg [dreg:$0x1];
	p0 =	sne.s32 s2, $0x0  }
0x6c: {  	s3 =	rddreg [dreg:$0x2];
	[bflag:$0x3] =	sbarrier.arrive $0xFFFF;
	s2 =	simm.s32 @!p0 $0x1C05  }
0x6d: {  	[timem:s3], [sflag:s2] =	dma.local @!p0 [hbm:s0], s1  }
0x6e: {  	s0 =	simm.s32 @!p0 $0x5  }
0x6f: {  	_ =	swait.ge @!p0 [sflag:s0], s1  }
0x70: {  	s1 =	ssub.s32 @!p0 $0x0, s1;
	[sflag:s0] =	ssyncset.done @!p0 $0x0  }
0x71: {  	[sflag:s0] =	ssyncadd.s32 @!p0 s1  }
0x72: {  	[bflag:$0x3] =	sbarrier.arrive $0xFFFF  }
0x73: {  	_ =	shalt  }

// kernel: kernel.9.cloned.1.call-start
scs
__scs_entry_jumppad:
0x0: {  	(pc) =	sbr.rel $0x88, $3  }
0x1: {  	(tag) =	ssettag $0x0;
	lr =	simm.s32 $0x1  }
0x2: {  	[smem:$0x3F96] =	sst lr;
	_ =	strace $0xD0000000  }
0x3: {  	_ = 	snop  }
0x4: {  	_ = 	snop  }
0x5: {  	_ = 	snop  }
0x6: {  	_ = 	snop  }
0x7: {  	_ = 	snop  }
__scs_overlays_trampoline_lowered:
0x8: {  	[smem:$0x3FA5] =	sst s0  }
0x9: {  	[smem:$0x3FA6] =	sst s1  }
0xa: {  	[smem:$0x3FA7] =	sst s2  }
0xb: {  	[smem:$0x3FA8] =	sst s3  }
0xc: {  	[smem:$0x3FA9] =	sst s4  }
0xd: {  	[smem:$0x3FAA] =	sst s5  }
0xe: {  	[smem:$0x3FAB] =	sst s6  }
0xf: {  	[smem:$0x3FAC] =	sst s7  }
0x10: {  	[smem:$0x3FAD] =	sst s8  }
0x11: {  	[smem:$0x3FAE] =	sst s9;
	s0 =	simm.s32 @!p0 $0x0  }
0x12: {  	s1 =	sld [smem:$0x3F94];
	s0 =	simm.s32 @p0 $0x1  }
0x13: {  	[smem:$0x3FAF] =	sst s0;
	s0 =	simm.s32 @!p1 $0x0  }
0x14: {  	s2 =	sld [smem:$0x3F93];
	s0 =	simm.s32 @p1 $0x1  }
0x15: {  	[smem:$0x3FB0] =	sst s0;
	s0 =	simm.s32 @!p2 $0x0  }
0x16: {  	s3 =	sld [smem:$0x3FDB];
	s0 =	simm.s32 @p2 $0x1  }
0x17: {  	s4 =	simm.s32 $0x1BF5;
	[smem:$0x3FB2] =	sst s0  }
0x18: {  	s0 =	sld [smem:$0x3F95];
	_ =	swait.ge [sflag:s4], $0x0  }
0x19: {  	s7 =	sld [smem:$0x3F96]  }
0x1a: {  	s8 =	sadd.s32 $0xFFFFE003, lr  }
0x1b: {  	s9 =	sadd.s32 $0xFFFFFEF7, lr;
	s5 =	simm.s32 $0xFFFFFFFF;
	p2 =	slt.u32 s8, $0xFFFFF086  }
0x1c: {  	p1 =	slt.u32 s9, $0xF7A;
	s5 =	simm.s32 @!p2 $0x0  }
0x1d: {  	s5 =	simm.s32 @p1 $0x1;
	p0 =	seq.s32 s7, s2  }
0x1e: {  	s7 =	smul.u32 @!p0 $0xF7A, s2;
	p2 =	seq.s32 @!p0 s5, $0x0  }
0x1f: {  	s9 =	smul.u32 $0xF7A, s1;
	s8 =	simm.s32 @!p0 $0x1BF5;
	p2 =	por !p2, p0  }
0x20: {  	[sflag:s8] =	ssyncset.s32 @!p0 $0xFFFFF086;
	s6 =	sadd.s32 @!p0 s3, s7;
	s7 =	simm.s32 @!p0 $0x108  }
0x21: {  	s3 =	sadd.s32 s3, s9;
	s6 =	sadd.s32 @!p0 $0x88, s6;
	s7 =	simm.s32 @p2 $0x1082  }
0x22: {  	[simem:s7], [sflag:s8] =	dma.local @!p0 [hbm:s6], $0xF7A  }
0x23: {  	s9 =	sor.u32 $0xD0000000, s2;
	s6 =	simm.s32 $0x108;
	_ =	swait.ge @!p0 [sflag:s8], $0x0  }
0x24: {  	s3 =	sadd.s32 $0x88, s3;
	s6 =	simm.s32 @!p1 $0x1082;
	[sflag:s4] =	ssyncset.s32 $0xFFFFF086  }
0x25: {  	[simem:s6], [sflag:s4] =	dma.local [hbm:s3], $0xF7A  }
0x26: {  	[smem:$0x3F96] =	sst s1;
	(tag) =	ssettag s2;
	_ =	strace s9  }
0x27: {  	s1 =	sld [smem:$0x3FA6]  }
0x28: {  	s2 =	sld [smem:$0x3FA7]  }
0x29: {  	s4 =	sld [smem:$0x3FA9]  }
0x2a: {  	p0 =	seq.s32 s5, $0x0;
	s5 =	sld [smem:$0x3FAA]  }
0x2b: {  	s6 =	sld [smem:$0x3FAB]  }
0x2c: {  	s7 =	sld [smem:$0x3FAC]  }
0x2d: {  	s3 =	simm.s32 $0x108;
	s8 =	sld [smem:$0x3FAD]  }
0x2e: {  	s3 =	simm.s32 @!p0 $0x1082;
	s9 =	sld [smem:$0x3FAE]  }
0x2f: {  	lr =	sadd.s32 s0, s3;
	s0 =	sld [smem:$0x3FA5]  }
0x30: {  	s3 =	sld [smem:$0x3FA8]  }
0x31: {  	[smem:$0x3FB1] =	sst s10  }
0x32: {  	s10 =	sld [smem:$0x3FAF];
	_ =	sdelay $0x3  }
0x33: {  	p0 =	seq.s32 s10, $0x1;
	s10 =	sld [smem:$0x3FB1];
	_ =	sdelay $0x3  }
0x34: {  	[smem:$0x3FB1] =	sst s10  }
0x35: {  	s10 =	sld [smem:$0x3FB0];
	_ =	sdelay $0x3  }
0x36: {  	p1 =	seq.s32 s10, $0x1;
	s10 =	sld [smem:$0x3FB1];
	_ =	sdelay $0x3  }
0x37: {  	[smem:$0x3FB1] =	sst s10  }
0x38: {  	s10 =	sld [smem:$0x3FB2]  }
0x39: {  	_ = 	snop;
	(pc) =	sbr.ind lr, $3  }
0x3a: {  	_ = 	snop  }
0x3b: {  	_ = 	snop  }
0x3c: {  	p2 =	seq.s32 s10, $0x1;
	s10 =	sld [smem:$0x3FB1]  }
0x3d: {  	_ =	shalt  }
0x3e: {  	_ =	shalt  }
0x3f: {  	_ =	shalt  }
0x40: {  	_ =	shalt  }
0x41: {  	_ =	shalt  }
0x42: {  	_ =	shalt  }
0x43: {  	_ =	shalt  }
0x44: {  	_ =	shalt  }
0x45: {  	_ =	shalt  }
0x46: {  	_ =	shalt  }
0x47: {  	_ =	shalt  }
0x48: {  	_ =	shalt  }
0x49: {  	_ =	shalt  }
0x4a: {  	_ =	shalt  }
0x4b: {  	_ =	shalt  }
0x4c: {  	_ =	shalt  }
0x4d: {  	_ =	shalt  }
0x4e: {  	_ =	shalt  }
0x4f: {  	_ =	shalt  }
0x50: {  	_ =	shalt  }
0x51: {  	_ =	shalt  }
0x52: {  	_ =	shalt  }
0x53: {  	_ =	shalt  }
0x54: {  	_ =	shalt  }
0x55: {  	_ =	shalt  }
0x56: {  	_ =	shalt  }
0x57: {  	_ =	shalt  }
0x58: {  	_ =	shalt  }
0x59: {  	_ =	shalt  }
0x5a: {  	_ =	shalt  }
0x5b: {  	_ =	shalt  }
0x5c: {  	_ =	shalt  }
0x5d: {  	_ =	shalt  }
0x5e: {  	_ =	shalt  }
0x5f: {  	_ =	shalt  }
0x60: {  	_ =	shalt  }
0x61: {  	_ =	shalt  }
0x62: {  	_ =	shalt  }
0x63: {  	_ =	shalt  }
0x64: {  	_ =	shalt  }
0x65: {  	_ =	shalt  }
0x66: {  	_ =	shalt  }
0x67: {  	_ =	shalt  }
0x68: {  	_ =	shalt  }
0x69: {  	_ =	shalt  }
0x6a: {  	_ =	shalt  }
0x6b: {  	_ =	shalt  }
0x6c: {  	_ =	shalt  }
0x6d: {  	_ =	shalt  }
0x6e: {  	_ =	shalt  }
0x6f: {  	_ =	shalt  }
0x70: {  	_ =	shalt  }
0x71: {  	_ =	shalt  }
0x72: {  	_ =	shalt  }
0x73: {  	_ =	shalt  }
0x74: {  	_ =	shalt  }
0x75: {  	_ =	shalt  }
0x76: {  	_ =	shalt  }
0x77: {  	_ =	shalt  }
0x78: {  	_ =	shalt  }
0x79: {  	_ =	shalt  }
0x7a: {  	_ =	shalt  }
0x7b: {  	_ =	shalt  }
0x7c: {  	_ =	shalt  }
0x7d: {  	_ =	shalt  }
0x7e: {  	_ =	shalt  }
0x7f: {  	_ =	shalt  }
0x80: {  	_ =	shalt  }
0x81: {  	_ =	shalt  }
0x82: {  	_ =	shalt  }
0x83: {  	_ =	shalt  }
0x84: {  	_ =	shalt  }
0x85: {  	_ =	shalt  }
0x86: {  	_ =	shalt  }
0x87: {  	_ =	shalt  }
.Lfunc_end0:
.L_simem_size_0:
called_computation_lowered:
.L_overlay_start_0:
0x88: {  	s2 =	sld [smem:$0x3FD9]  }
0x89: {  	s3 =	sld [smem:$0x3FFE];
	_ =	sdelay $0x1  }
0x8a: {  	s1 =	srdreg.scid  }
0x8b: {  	s0 =	sand.u32 $0x1, s1  }
0x8c: {  	s17 =	sshll.u32 s0, $0xA;
	s2 =	sadd.s32 s3, s2  }
0x8d: {  	s2 =	sadd.s32 s2, s17  }
0x8e: {  	[smem:$0x3FBD] =	sst s2  }
0x8f: {  	_ = 	snop  }
0x90: {  	s2 =	sld [smem:$0x3FD0];
	(tm) =	ssettm $0x1  }
0x91: {  	s18 =	sld [smem:$0x3FFB];
	_ =	sdelay $0x3  }
0x92: {  	_ =	strace s18  }
0x93: {  	s3 =	sld [smem:$0x3FFC];
	_ =	sdelay $0x3  }
0x94: {  	_ =	strace s3  }
0x95: {  	s3 =	sld [smem:$0x3FFD];
	_ =	sdelay $0x3  }
0x96: {  	_ =	strace s3  }
0x97: {  	_ =	strace $0x8FFFFFFF  }
0x98: {  	s19 =	sld [smem:$0x3FDB];
	_ =	sdelay $0x1  }
0x99: {  	s4 =	simm.s32 $_scs_section_size  }
0x9a: {  	s5 =	simm.s32 $_size__tile_overlayer_lowered;
	s6 =	simm.s32 $_tile_overlayer_lowered  }
0x9b: {  	s22 =	simm.s32 $0x1BFF;
	s21 =	sshll.u32 s6, $0x1;
	s3 =	sadd.s32 s4, s19  }
0x9c: {  	s7 =	simm.s32 $0x0;
	s20 =	sshll.u32 s5, $0x1;
	s5 =	sadd.s32 s21, s3  }
0x9d: {  	[timem:s7], [sflag:s22] =	dma.local [hbm:s5], s20  }
0x9e: {  	_ =	swait.ge [sflag:s22], s20  }
0x9f: {  	s4 =	ssub.s32 $0x0, s20;
	[sflag:s22] =	ssyncset.done $0x0  }
0xa0: {  	[sflag:s22] =	ssyncadd.s32 s4;
	_ =	sdelay $0x1  }
0xa1: {  	s23 =	simm.s32 $0x1B8B  }
0xa2: {  	_ =	swait.ge [sflag:s23], $0x1  }
0xa3: {  	[sflag:s23] =	ssyncset.done $0x0  }
0xa4: {  	s25 =	simm.s32 $0x1B8E;
	s24 =	sld [smem:$0x3FFE];
	[sflag:s23] =	ssyncadd.s32 $0xFFFFFFFF  }
0xa5: {  	s26 =	simm.s32 $execute0_lowered;
	[smem:$0x3FD2] =	sst s25  }
0xa6: {  	s5 =	sshll.u32 s26, $0x1;
	_ =	strace $0x80000046;
	[dreg:$0x1] =	wrdreg $0xFFFFFFFF  }
0xa7: {  	s28 =	simm.s32 $_size_execute0_lowered;
	s3 =	sadd.s32 s3, s5;
	[dreg:$0x0] =	wrdreg $0x0  }
0xa8: {  	s5 =	sshll.u32 s28, $0x1;
	[dreg:$0x2] =	wrdreg s3  }
0xa9: {  	[dreg:$0x3] =	wrdreg s5  }
0xaa: {  	[dreg:$0x4] =	wrdreg $0xC0  }
0xab: {  	_ =	task [dreg:s7], $0x5FFFF  }
0xac: {  	[dreg:$0x1] =	wrdreg $0xFFFFFFFF  }
0xad: {  	[dreg:$0x0] =	wrdreg $0x60  }
0xae: {  	[dreg:$0x2] =	wrdreg s24  }
0xaf: {  	[dreg:$0x3] =	wrdreg s2  }
0xb0: {  	[dreg:$0x4] =	wrdreg $0x8AC00  }
0xb1: {  	[dreg:$0x5] =	wrdreg $0x136200  }
0xb2: {  	[dreg:$0x6] =	wrdreg $0x9  }
0xb3: {  	_ =	task.clear_ibuf [dreg:s7], $0x7FFFF;
	_ =	strace $0x90000046  }
0xb4: {  	s29 =	simm.s32 $0x9;
	_ =	strace $0x80000048  }
0xb5: {  	_ =	swait.ge [sflag:s29], $0x1  }
0xb6: {  	[sflag:s29] =	ssyncadd.s32 $0xFFFFFFFF  }
0xb7: {  	_ =	strace $0x90000048  }
0xb8: {  	_ =	sfence  }
0xb9: {  	s30 =	sld [smem:$0x0];
	_ =	sdelay $0x2  }
0xba: {  	s31 =	sshll.u32 s1, $0xD;
	s1 =	sshrl.u32 s1, $0x2  }
0xbb: {  	s3 =	sand.u32 $0x4000, s31;
	s1 =	sadd.s32 s1, s30  }
0xbc: {  	s0 =	sor.u32 s3, s0;
	s1 =	sshll.u32 s1, $0x11  }
0xbd: {  	s0 =	sor.u32 s1, s0  }
0xbe: {  	s0 =	sadd.s32 $0x8F2B, s0  }
0xbf: {  	[sflag:s0] =	ssyncadd.remote.s32 $0x1  }
0xc0: {  	_ =	sfence.sel $0xFFFF  }
0xc1: {  	[dreg:$0x0] =	wrdreg $0xFFFFFFFF;
	(pc) =	sbr.abs _section_cstart, $3  }
0xc2: {  	[dreg:$0x1] =	wrdreg $0xFFFFFFFF  }
0xc3: {  	_ =	task.clear_ibuf [dreg:s7], $0x2FFFF;
	_ =	strace $0x9FFFFFFF  }
0xc4: {  	(tm) =	ssettm $0x7FFFFFFF  }
0xc5: {  	_ =	shalt  }
tec
execute0_lowered:
.L_overlay_start_1:
0x0: {  	(tag) =	ssettag $0x1  }
0x1: {  	s0 =	rddreg [dreg:$0x0]  }
0x2: {  	s1 =	rddreg [dreg:$0x1]  }
0x3: {  	s2 =	rddreg [dreg:$0x2]  }
0x4: {  	s3 =	rddreg [dreg:$0x3];
	s13 =	stileid.u32;
	s4 =	simm.s32 $0x0  }
0x5: {  	s6 =	srdreg.scid;
	s17 =	simm.s32 $0x6;
	s28 =	simm.s32 $0x1  }
0x6: {  	s29 =	simm.s32 $0x2;
	s31 =	simm.s32 $0x3;
	s5 =	smul.u32 $0x4EC, s13  }
0x7: {  	s30 =	simm.s32 $0x0;
	[smem:$0x7FF] =	sst s4;
	s11 =	smul.u32 $0x27000, s13  }
0x8: {  	s6 =	sand.u32 $0x1, s6;
	s7 =	sadd.s32 $0x83600, s0;
	s14 =	smul.u32 $0x13800, s13  }
0x9: {  	s25 =	sadd.s32 $0x92400, s2;
	s15 =	smul.u32 $0x4E00, s13;
	p1 =	seq.s32 s13, $0xF  }
0xa: {  	_ =	strace $0x80000047;
	[dreg:$0x5] =	wrdreg s7;
	s9 =	smul.u32 $0x13880, s6  }
0xb: {  	s7 =	sadd.s32 $0x82A00, s0;
	s10 =	ssub.s32 $0x2, s6;
	[dreg:$0x8] =	wrdreg s25  }
0xc: {  	p0 =	sne.s32 s6, $0x0;
	p4 =	sne.s32 @p1 s6, $0x0;
	p5 =	sne.s32 @!p1 s6, $0x0  }
0xd: {  	s8 =	sadd.s32 s5, s0;
	s5 =	sadd.s32 $0x2000, s0;
	s21 =	sshrl.u32 s10, $0x1  }
0xe: {  	s23 =	sshrl.u32 s11, $0x2;
	s24 =	sshrl.u32 s14, $0x2;
	s11 =	sadd.s32 $0x49200, s3  }
0xf: {  	s16 =	sshrl.u32 s15, $0x3;
	s15 =	sadd.s32 s15, s3;
	p3 =	seq.s32 @!p0 s13, $0xF  }
0x10: {  	p4 =	por p4, !p1;
	p5 =	por p5, p1;
	s0 =	sadd.s32 s9, s0  }
0x11: {  	s9 =	ssub.s32 s10, s21;
	s22 =	sadd.s32 $0x7DA00, s8;
	s8 =	sadd.s32 $0x78A00, s8  }
0x12: {  	s10 =	sadd.s32 s24, s3;
	s16 =	sadd.s32 s1, s16;
	s1 =	sadd.s32 $0x9240, s1  }
0x13: {  	p2 =	por p3, p0;
	p3 =	por !p3, p0;
	[dreg:$0x6] =	wrdreg s22  }
0x14: {  	s21 =	simm.s32 $0x78;
	s25 =	sshrl.u32 @!p5 s15, $0x3;
	[dreg:$0x7] =	wrdreg s8  }
0x15: {  	s8 =	sadd.s32 s23, s2;
	s12 =	sadd.s32 $0x51800, s0;
	s23 =	sadd.s32 $0x83800, s0  }
0x16: {  	s0 =	sshrl.u32 s14, $0x4;
	s14 =	sshrl.u32 s14, $0x1;
	[dreg:$0x9] =	wrdreg s16  }
0x17: {  	[dreg:$0xa] =	wrdreg s1;
	s26 =	smax.u32 s9, $0x1;
	s20 =	sshrl.u32 @!p2 s10, $0x3  }
0x18: {  	s22 =	simm.s32 $0x4EC0;
	s14 =	sadd.s32 s14, s2;
	[dreg:$0xb] =	wrdreg s26  }
0x19: {  	s19 =	sshrl.u32 @!p1 s8, $0x3;
	s18 =	smov.u32 s23;
	s23 =	sadd.s32 @!p1 s0, s23  }
0x1a: {  	s26 =	simm.s32 $0x6CC0;
	s0 =	simm.s32 $0x4;
	s24 =	sshrl.u32 @!p1 s14, $0x3  }
.LBB2_1:
0x1b: {  	s1 =	rddreg [dreg:$0x6]  }
0x1c: {  	[tilespmem:s4], [sflag:$0x6] =	stream.linear.gather [hbm4b:s1+s4], $0x2760, $0x38;
	[tilespmem:$0x18450] =	vst v63  }
0x1d: {  	_ =	swait.ge [sflag:s17], $0x2760  }
0x1e: {  	[sflag:s17] =	ssyncset.done $0x0  }
0x1f: {  	s14 =	simm.s32 $0x2760;
	s15 =	rddreg [dreg:$0x7];
	[sflag:s17] =	ssyncadd.s32 $0xFFFFD8A0  }
0x20: {  	[tilespmem:s14], [sflag:$0x6] =	stream.linear.gather [hbm4b:s15+s4], $0x2760, $0x38;
	[tilespmem:$0x18450] =	vst v63  }
0x21: {  	_ =	swait.ge [sflag:s17], $0x2760  }
0x22: {  	[sflag:s17] =	ssyncset.done $0x0;
	s1 =	rddreg [dreg:$0x8]  }
0x23: {  	[sflag:s17] =	ssyncadd.s32 $0xFFFFD8A0;
	s8 =	sshrl.u32 @p1 s1, $0x3;
	s1 =	simm.s32 @p1 $0x1FC6  }
0x24: {  	[spmem:s8], [sflag:s1] =	dma.local @p1 [hbm:s5], $0x1440  }
0x25: {  	s1 =	simm.s32 @p1 $0x6  }
0x26: {  	s13 =	stileid.u32;
	_ =	swait.ge @p1 [sflag:s1], $0x1440  }
0x27: {  	s6 =	sshll.u32 @!p1 s13, $0x6;
	[sflag:s1] =	ssyncset.done @p1 $0x0  }
0x28: {  	s6 =	sor.u32 @!p1 $0x1C06, s6;
	[sflag:s1] =	ssyncadd.s32 @p1 $0xFFFFEBC0;
	s1 =	simm.s32 @!p1 $0x6  }
0x29: {  	[spmem:s19], [sflag:s6] =	dma.local @!p1 [hbm:s5], $0x1380  }
0x2a: {  	_ =	swait.ge @!p1 [sflag:s1], $0x1380  }
0x2b: {  	s9 =	simm.s32 @!p0 $0x0;
	[sflag:s1] =	ssyncset.done @!p1 $0x0  }
0x2c: {  	s10 =	rddreg [dreg:$0x5];
	[sflag:s1] =	ssyncadd.s32 @!p1 $0xFFFFEC80;
	s1 =	simm.s32 @!p0 $0x12720  }
0x2d: {  	[tilespmem:s1], [sflag:$0x6] =	stream.linear.gather @!p0 [hbm4b:s10+s9], $0xF00, $0x38;
	[tilespmem:$0x18450] =	vst v63  }
0x2e: {  	s9 =	simm.s32 @!p0 $0x6  }
0x2f: {  	_ =	swait.ge @!p0 [sflag:s9], $0xF00  }
0x30: {  	[sflag:s9] =	ssyncset.done @!p0 $0x0  }
0x31: {  	s10 =	simm.s32 @!p3 $0x1FC6;
	[sflag:s9] =	ssyncadd.s32 @!p0 $0xFFFFF100;
	s9 =	sshrl.u32 @!p3 s11, $0x3  }
0x32: {  	[spmem:s9], [sflag:s10] =	dma.local @!p3 [hbm:s7], $0xA20  }
0x33: {  	s9 =	simm.s32 @!p3 $0x6  }
0x34: {  	_ =	swait.ge @!p3 [sflag:s9], $0xA20  }
0x35: {  	s10 =	sshll.u32 @!p2 s13, $0x6;
	[sflag:s9] =	ssyncset.done @!p3 $0x0  }
0x36: {  	[sflag:s9] =	ssyncadd.s32 @!p3 $0xFFFFF5E0;
	s9 =	sor.u32 @!p2 $0x1C06, s10  }
0x37: {  	[spmem:s20], [sflag:s9] =	dma.local @!p2 [hbm:s7], $0x9C0  }
0x38: {  	s9 =	simm.s32 @!p2 $0x6  }
0x39: {  	_ =	swait.ge @!p2 [sflag:s9], $0x9C0  }
0x3a: {  	[sflag:s9] =	ssyncset.done @!p2 $0x0  }
0x3b: {  	[sflag:s9] =	ssyncadd.s32 @!p2 $0xFFFFF640  }
0x3c: {  	[bflag:$0x0] =	sbarrier.arrive $0xFFFF  }
0x3d: {  	[tilespmem:s22], [sflag:$0x1] =	stream.indirect.gather [hbm4b:s12+s21], $0x40, s4, s21, $0xb8;
	[tilespmem:$0x18450] =	vst v63  }
0x3e: {  	_ = 	snop  }
0x3f: {  	[tilespmem:s26], [sflag:$0x2] =	stream.indirect.gather [hbm4b:s12+s21], $0x40, s21, s21, $0xb8;
	[tilespmem:$0x18450] =	vst v63  }
0x40: {  	s10 =	simm.s32 @!p0 $0x2760;
	s9 =	simm.s32 @!p0 $0x78  }
0x41: {  	[spmem:s3] =	stream.indirect.scatter.add.f32 @!p0 [tilespmem:s1], [sflag:$0x5], $0x20, s10, s9, $0xb8;
	[tilespmem:$0x18450] =	vst v63  }
0x42: {  	s10 =	simm.s32 @!p0 $0x27D8  }
0x43: {  	[spmem:s3] =	stream.indirect.scatter.add.f32 @!p0 [tilespmem:s1], [sflag:$0x5], $0x20, s10, s9, $0xb8;
	[tilespmem:$0x18450] =	vst v63  }
0x44: {  	_ =	swait.ge [sflag:s28], $0x1E00  }
0x45: {  	[sflag:s28] =	ssyncset.done $0x0  }
0x46: {  	[sflag:s28] =	ssyncadd.s32 $0xFFFFE200  }
0x47: {  	[spmem:s2] =	stream.indirect.scatter.add.bf16 [tilespmem:s22], [sflag:$0x3], $0x40, s14, s21, $0xb8;
	[tilespmem:$0x18450] =	vst v63  }
0x48: {  	_ =	swait.ge [sflag:s29], $0x1E00  }
0x49: {  	[sflag:s29] =	ssyncset.done $0x0  }
0x4a: {  	s16 =	simm.s32 $0x27D8;
	[sflag:s29] =	ssyncadd.s32 $0xFFFFE200  }
0x4b: {  	[spmem:s2] =	stream.indirect.scatter.add.bf16 [tilespmem:s26], [sflag:$0x4], $0x40, s16, s21, $0xb8;
	[tilespmem:$0x18450] =	vst v63  }
0x4c: {  	_ =	swait.ge [sflag:s31], $0x1E00  }
0x4d: {  	[sflag:s31] =	ssyncset.done $0x0  }
0x4e: {  	[sflag:s31] =	ssyncadd.s32 $0xFFFFE200  }
0x4f: {  	_ =	swait.ge [sflag:s0], $0x1E00  }
0x50: {  	[sflag:s0] =	ssyncset.done $0x0  }
0x51: {  	s10 =	simm.s32 @!p0 $0x5;
	[sflag:s0] =	ssyncadd.s32 $0xFFFFE200  }
0x52: {  	_ =	swait.ge @!p0 [sflag:s10], $0xF00  }
0x53: {  	[sflag:s10] =	ssyncset.done @!p0 $0x0  }
0x54: {  	[sflag:s10] =	ssyncadd.s32 @!p0 $0xFFFFF100  }
0x55: {  	_ =	swait.ge @!p0 [sflag:s10], $0xF00  }
0x56: {  	[sflag:s10] =	ssyncset.done @!p0 $0x0  }
0x57: {  	s13 =	simm.s32 $0xF0;
	[sflag:s10] =	ssyncadd.s32 @!p0 $0xFFFFF100  }
0x58: {  	[tilespmem:s22], [sflag:$0x1] =	stream.indirect.gather [hbm4b:s12+s21], $0x40, s13, s21, $0xb8;
	[tilespmem:$0x18450] =	vst v63  }
0x59: {  	s15 =	simm.s32 $0x168  }
0x5a: {  	[tilespmem:s26], [sflag:$0x2] =	stream.indirect.gather [hbm4b:s12+s21], $0x40, s15, s21, $0xb8;
	[tilespmem:$0x18450] =	vst v63  }
0x5b: {  	s14 =	simm.s32 @!p0 $0x2850  }
0x5c: {  	[spmem:s3] =	stream.indirect.scatter.add.f32 @!p0 [tilespmem:s1], [sflag:$0x5], $0x20, s14, s9, $0xb8;
	[tilespmem:$0x18450] =	vst v63  }
0x5d: {  	s14 =	simm.s32 @!p0 $0x28C8  }
0x5e: {  	[spmem:s3] =	stream.indirect.scatter.add.f32 @!p0 [tilespmem:s1], [sflag:$0x5], $0x20, s14, s9, $0xb8;
	[tilespmem:$0x18450] =	vst v63  }
0x5f: {  	_ =	swait.ge [sflag:s28], $0x1E00  }
0x60: {  	[sflag:s28] =	ssyncset.done $0x0  }
0x61: {  	s16 =	simm.s32 $0x2850;
	[sflag:s28] =	ssyncadd.s32 $0xFFFFE200  }
0x62: {  	[spmem:s2] =	stream.indirect.scatter.add.bf16 [tilespmem:s22], [sflag:$0x3], $0x40, s16, s21, $0xb8;
	[tilespmem:$0x18450] =	vst v63  }
0x63: {  	_ =	swait.ge [sflag:s29], $0x1E00  }
0x64: {  	[sflag:s29] =	ssyncset.done $0x0  }
0x65: {  	s15 =	simm.s32 $0x28C8;
	s14 =	simm.s32 $0xFFFF6A00;
	[sflag:s29] =	ssyncadd.s32 $0xFFFFE200  }
.LBB2_2:
0x66: {  	[spmem:s2] =	stream.indirect.scatter.add.bf16 [tilespmem:s26], [sflag:$0x4], $0x40, s15, s21, $0xb8;
	[tilespmem:$0x18450] =	vst v63  }
0x67: {  	s15 =	smov.u32 s14;
	s14 =	sadd.s32 $0x3C0, s14;
	_ =	swait.ge [sflag:s31], $0x1E00  }
0x68: {  	p6 =	sne.s32 s14, $0x0;
	[sflag:s31] =	ssyncset.done $0x0  }
0x69: {  	[sflag:s31] =	ssyncadd.s32 $0xFFFFE200  }
0x6a: {  	_ =	swait.ge [sflag:s0], $0x1E00  }
0x6b: {  	[sflag:s0] =	ssyncset.done $0x0  }
0x6c: {  	[sflag:s0] =	ssyncadd.s32 $0xFFFFE200  }
0x6d: {  	_ =	swait.ge @!p0 [sflag:s10], $0xF00  }
0x6e: {  	[sflag:s10] =	ssyncset.done @!p0 $0x0  }
0x6f: {  	[sflag:s10] =	ssyncadd.s32 @!p0 $0xFFFFF100  }
0x70: {  	_ =	swait.ge @!p0 [sflag:s10], $0xF00  }
0x71: {  	s13 =	sshra.s32 s15, $0x2;
	[sflag:s10] =	ssyncset.done @!p0 $0x0  }
0x72: {  	s16 =	sadd.s32 $0x2760, s13;
	[sflag:s10] =	ssyncadd.s32 @!p0 $0xFFFFF100  }
0x73: {  	[tilespmem:s22], [sflag:$0x1] =	stream.indirect.gather [hbm4b:s12+s21], $0x40, s16, s21, $0xb8;
	[tilespmem:$0x18450] =	vst v63  }
0x74: {  	s15 =	sshra.s32 @!p0 s15, $0x2;
	s16 =	sadd.s32 $0x27D8, s13  }
0x75: {  	[tilespmem:s26], [sflag:$0x2] =	stream.indirect.gather [hbm4b:s12+s21], $0x40, s16, s21, $0xb8;
	[tilespmem:$0x18450] =	vst v63  }
0x76: {  	s16 =	sadd.s32 @!p0 $0x4EC0, s15  }
0x77: {  	[spmem:s3] =	stream.indirect.scatter.add.f32 @!p0 [tilespmem:s1], [sflag:$0x5], $0x20, s16, s9, $0xb8;
	[tilespmem:$0x18450] =	vst v63  }
0x78: {  	s15 =	sadd.s32 @!p0 $0x4F38, s15  }
0x79: {  	[spmem:s3] =	stream.indirect.scatter.add.f32 @!p0 [tilespmem:s1], [sflag:$0x5], $0x20, s15, s9, $0xb8;
	[tilespmem:$0x18450] =	vst v63  }
0x7a: {  	_ =	swait.ge [sflag:s28], $0x1E00  }
0x7b: {  	[sflag:s28] =	ssyncset.done $0x0  }
.Ltmp0:
0x7c: {  	s15 =	sadd.s32 $0x4EC0, s13;
	[sflag:s28] =	ssyncadd.s32 $0xFFFFE200;
	(pc) =	sbr.rel @p6 .LBB2_2-.Ltmp0, $4  }
0x7d: {  	[spmem:s2] =	stream.indirect.scatter.add.bf16 [tilespmem:s22], [sflag:$0x3], $0x40, s15, s21, $0xb8;
	[tilespmem:$0x18450] =	vst v63  }
0x7e: {  	_ =	swait.ge [sflag:s29], $0x1E00  }
0x7f: {  	[sflag:s29] =	ssyncset.done $0x0  }
0x80: {  	s15 =	sadd.s32 $0x4F38, s13;
	[sflag:s29] =	ssyncadd.s32 $0xFFFFE200  }
0x81: {  	[spmem:s2] =	stream.indirect.scatter.add.bf16 [tilespmem:s26], [sflag:$0x4], $0x40, s15, s21, $0xb8;
	[tilespmem:$0x18450] =	vst v63  }
0x82: {  	_ =	swait.ge [sflag:s31], $0x1E00  }
0x83: {  	[sflag:s31] =	ssyncset.done $0x0  }
0x84: {  	[sflag:s31] =	ssyncadd.s32 $0xFFFFE200  }
0x85: {  	_ =	swait.ge [sflag:s0], $0x1E00  }
0x86: {  	[sflag:s0] =	ssyncset.done $0x0  }
0x87: {  	[sflag:s0] =	ssyncadd.s32 $0xFFFFE200  }
0x88: {  	_ =	swait.ge @!p0 [sflag:s10], $0xF00  }
0x89: {  	[sflag:s10] =	ssyncset.done @!p0 $0x0  }
0x8a: {  	[sflag:s10] =	ssyncadd.s32 @!p0 $0xFFFFF100  }
0x8b: {  	_ =	swait.ge @!p0 [sflag:s10], $0xF00  }
0x8c: {  	[sflag:s10] =	ssyncset.done @!p0 $0x0  }
0x8d: {  	[sflag:s10] =	ssyncadd.s32 @!p0 $0xFFFFF100  }
0x8e: {  	s1 =	sadd.s32 @p1 $0x12480, s18;
	s9 =	simm.s32 @p1 $0x1FC6;
	[bflag:$0x0] =	sbarrier.arrive $0xFFFF  }
0x8f: {  	[hbm:s1], [sflag:s9] =	dma.local @p1 [spmem:s8], $0x1400  }
0x90: {  	s1 =	simm.s32 @p1 $0x6  }
0x91: {  	_ =	swait.ge @p1 [sflag:s1], $0x1400  }
0x92: {  	[sflag:s1] =	ssyncset.done @p1 $0x0  }
0x93: {  	s8 =	rddreg [dreg:$0xa];
	[sflag:s1] =	ssyncadd.s32 @p1 $0xFFFFEC00;
	s1 =	sshrl.u32 @!p4 s11, $0x3  }
0x94: {  	[hbm:s8], [sflag:s9] =	dma.local @!p4 [spmem:s1], $0xA00  }
0x95: {  	s1 =	simm.s32 @!p4 $0x6  }
0x96: {  	_ =	swait.ge @!p4 [sflag:s1], $0xA00  }
0x97: {  	[sflag:s1] =	ssyncset.done @!p4 $0x0  }
0x98: {  	[sflag:s1] =	ssyncadd.s32 @!p4 $0xFFFFF600;
	s1 =	simm.s32 @!p1 $0x6  }
0x99: {  	[hbm:s23], [sflag:s6] =	dma.local @!p1 [spmem:s24], $0x1380  }
0x9a: {  	_ =	swait.ge @!p1 [sflag:s1], $0x1380  }
0x9b: {  	[sflag:s1] =	ssyncset.done @!p1 $0x0  }
0x9c: {  	[sflag:s1] =	ssyncadd.s32 @!p1 $0xFFFFEC80;
	s1 =	rddreg [dreg:$0x9]  }
0x9d: {  	[hbm:s1], [sflag:s6] =	dma.local @!p5 [spmem:s25], $0x9C0  }
0x9e: {  	s1 =	simm.s32 @!p5 $0x6  }
0x9f: {  	_ =	swait.ge @!p5 [sflag:s1], $0x9C0  }
0xa0: {  	s30 =	sadd.s32 $0x1, s30;
	s16 =	rddreg [dreg:$0xb]  }
0xa1: {  	p6 =	sne.s32 s30, s16  }
.Ltmp1:
0xa2: {  	_ = 	snop;
	(pc) =	sbr.rel @p6 .LBB2_1-.Ltmp1, $3  }
0xa3: {  	_ =	sdelay $0x1  }
0xa4: {  	[sflag:s1] =	ssyncset.done @!p5 $0x0  }
0xa5: {  	[sflag:s1] =	ssyncadd.s32 @!p5 $0xFFFFF640  }
0xa6: {  	_ =	sfence.sel $0x180000  }
0xa7: {  	[bflag:$0x0] =	sbarrier.arrive $0xFFFF  }
0xa8: {  	_ =	strace $0x90000047  }
0xa9: {  	s0 =	stileid.u32;
	[bflag:$0x2] =	sbarrier.arrive $0xFFFF  }
0xaa: {  	p0 =	sne.s32 s0, $0x0;
	s0 =	rddreg [dreg:$0x4]  }
0xab: {  	s0 =	sadd.s32 @!p0 $0x100000, s0  }
0xac: {  	[sflag:s0] =	ssyncadd.tile.s32 @!p0 $0x1;
	_ =	shalt  }
.Lfunc_end2:
_tile_overlayer_lowered:
.L_overlay_start_2:
0xad: {  	(tag) =	ssettag $0x2  }
0xae: {  	s0 =	rddreg [dreg:$0x0];
	s2 =	stileid.u32  }
0xaf: {  	s1 =	rddreg [dreg:$0x1];
	p0 =	sne.s32 s2, $0x0  }
0xb0: {  	s3 =	rddreg [dreg:$0x2];
	[bflag:$0x3] =	sbarrier.arrive $0xFFFF;
	s2 =	simm.s32 @!p0 $0x1C06  }
0xb1: {  	[timem:s3], [sflag:s2] =	dma.local @!p0 [hbm:s0], s1  }
0xb2: {  	s0 =	simm.s32 @!p0 $0x6  }
0xb3: {  	_ =	swait.ge @!p0 [sflag:s0], s1  }
0xb4: {  	s1 =	ssub.s32 @!p0 $0x0, s1;
	[sflag:s0] =	ssyncset.done @!p0 $0x0  }
0xb5: {  	[sflag:s0] =	ssyncadd.s32 @!p0 s1  }
0xb6: {  	[bflag:$0x3] =	sbarrier.arrive $0xFFFF  }
0xb7: {  	_ =	shalt  }

</sc_bundles>
